<compile_context>
chip_gen: v7x
topology: tpu7x:2x2x1
jax: 0.10.2.dev20260603
libtpu: 0.0.44.dev20260713+nightly
codegen_flags: <defaults>
</compile_context>

<pallas_src>
import functools

import jax
import jax.numpy as jnp
from jax import lax
from jax.experimental import pallas as pl
from jax.experimental.pallas import tpu as pltpu
from jax.experimental.pallas import tpu_sc as plsc

B, L = 4096, 200
EMB = 14
HID = 16
N = B * L
VOC = 1000000
VROW = VOC * EMB // HID
W_CLAMP = VROW - 1

_info = plsc.get_sparse_core_info()
NC, NS, LANES = _info.num_cores, _info.num_subcores, _info.num_lanes
NW = NC * NS
BPW = B // NW
BB = 4
BLK = BB * L
NBLK = BPW // BB
PER_W = BPW * L
NWIN = 2 * BLK
_SEGS = [(s, min(128, NWIN - s)) for s in range(0, NWIN, 128)]

_mesh = plsc.VectorSubcoreMesh(core_axis_name="c", subcore_axis_name="s")


@functools.partial(
    pl.kernel,
    mesh=_mesh,
    out_type=jax.ShapeDtypeStruct((B, L, HID), jnp.float32),
    scratch_types=[
        pltpu.VMEM((2 * BLK,), jnp.int32),
        pltpu.VMEM((2 * BLK,), jnp.int32),
        pltpu.VMEM((2 * BLK,), jnp.int32),
        pltpu.VMEM((2 * BLK,), jnp.float32),
        pltpu.VMEM((2 * NWIN,), jnp.int32),
        pltpu.VMEM((2 * NWIN, HID), jnp.float32),
        pltpu.VMEM((2 * BLK, HID), jnp.float32),
        pltpu.SemaphoreType.DMA,
        pltpu.SemaphoreType.DMA,
    ],
    compiler_params=pltpu.CompilerParams(
        needs_layout_passes=False,
        use_tc_tiling_on_sc=False,
    ),
)
def _sc_embed(table_h, idx_h, dur_h, out_h, idx_v, w1_v, o_v, dur_v, wl_v,
              win_v, out_v, sem_g, sem_o):
    wid = lax.axis_index("s") * NC + lax.axis_index("c")
    lane = lax.iota(jnp.int32, LANES)
    c_emb = jnp.minimum(lane, EMB - 1)
    m_emb = lane < EMB

    def stage(g, s):
        base = wid * PER_W + g * BLK
        pltpu.sync_copy(idx_h.at[pl.ds(base, BLK)], idx_v.at[pl.ds(s * BLK, BLK)])
        pltpu.sync_copy(dur_h.at[pl.ds(base, BLK)], dur_v.at[pl.ds(s * BLK, BLK)])

        @plsc.parallel_loop(0, BLK // LANES, unroll=4)
        def _(j):
            ii = idx_v[pl.ds(s * BLK + j * LANES, LANES)]
            w = ii * EMB
            w1_v[pl.ds(s * BLK + j * LANES, LANES)] = w >> 4
            o_v[pl.ds(s * BLK + j * LANES, LANES)] = w & 15

        @plsc.parallel_loop(0, NWIN // LANES, unroll=4)
        def _(j):
            k = j * LANES + lane
            t = plsc.load_gather(w1_v, [s * BLK + (k >> 1)])
            wl_v[pl.ds(s * NWIN + j * LANES, LANES)] = jnp.minimum(
                t + (k & 1), W_CLAMP
            )

    def fire_gathers(s):
        for off, ln in _SEGS:
            pltpu.async_copy(
                table_h.at[wl_v.at[pl.ds(s * NWIN + off, ln)]],
                win_v.at[pl.ds(s * NWIN + off, ln)],
                sem_g,
            )

    def drain_gathers(s):
        for off, ln in _SEGS:
            pltpu.make_async_copy(
                table_h.at[wl_v.at[pl.ds(s * NWIN + off, ln)]],
                win_v.at[pl.ds(s * NWIN + off, ln)],
                sem_g,
            ).wait()

    def out_descs(g, s):
        bbase = wid * BPW + g * BB
        return [
            pltpu.make_async_copy(
                out_v.at[pl.ds(s * BLK + k * L, L)],
                out_h.at[bbase + k],
                sem_o,
            )
            for k in range(BB)
        ]

    stage(0, 0)
    fire_gathers(0)

    def block_body(g, carry):
        s = lax.rem(g, 2)
        s1 = 1 - s

        @pl.when(g + 1 < NBLK)
        def _():
            stage(g + 1, s1)

            @pl.when(g >= 1)
            def _():
                for d in out_descs(g - 1, s1):
                    d.wait()

            fire_gathers(s1)

        drain_gathers(s)

        @plsc.parallel_loop(0, BLK, unroll=16)
        def _(r):
            r_b = jnp.full((LANES,), r, jnp.int32)
            o_b = plsc.load_gather(o_v, [s * BLK + r_b])
            dur = plsc.load_gather(dur_v, [s * BLK + r_b])
            p = o_b + c_emb
            emb = plsc.load_gather(win_v, [s * NWIN + 2 * r_b + (p >> 4), p & 15])
            plsc.store_scatter(
                out_v, [s * BLK + r_b, lane], jnp.where(m_emb, emb, dur)
            )

        for d in out_descs(g, s):
            d.start()
        return carry

    lax.fori_loop(0, NBLK, block_body, 0)

    for d in out_descs(NBLK - 2, lax.rem(NBLK - 2, 2)):
        d.wait()
    for d in out_descs(NBLK - 1, lax.rem(NBLK - 1, 2)):
        d.wait()


def kernel(x, table):
    table16 = table.reshape(VROW, HID)
    idx = x[..., 0].astype(jnp.int32).reshape(N)
    dur = x[..., 1].reshape(N)
    return _sc_embed(table16, idx, dur)

# --- scband reference (transcript-rebuilt; emitter-appended) ---
"""Pipeline reference for scband-custom-combined-embedding-13331578487257 (READ-ONLY COPY).

The authoritative reference and input builder live on the scoring server;
editing this copy changes nothing except your own understanding.
"""

import jax, jax.numpy as jnp
import numpy as np

VOCAB = 1000000
HIDDEN = 16
EMB_DIM = HIDDEN - 2
B, L = 4096, 200

def setup_inputs(seed: int = 0) -> dict:
    key = jax.random.key(seed)
    k1, k2 = jax.random.split(key)
    # x packs [index, duration] in the last dim; randint values are valid indices
    # and also serve as float durations.
    x = jax.random.randint(k1, (B, L, 2), 0, VOCAB).astype(jnp.float32)
    table = jax.random.normal(k2, (VOCAB, EMB_DIM), dtype=jnp.float32) * 0.02
    return {"x": x, "table": table}

def reference(x, table):
    # torch.split(x, [1, 1], dim=-1)
    embedded_idx = x[..., 0:1]
    durations = x[..., 1:2]
    # torch.cumsum over last dim of size 1 is identity, kept for faithfulness
    ends = jnp.cumsum(durations, axis=-1)
    idx = embedded_idx.astype(jnp.int32)  # [B, L, 1]
    emb = jnp.take(table, idx, axis=0)    # [B, L, 1, EMB_DIM]
    emb = jnp.squeeze(emb, axis=-2)       # [B, L, EMB_DIM]  (dropout p=0.0 -> identity)
    out = jnp.concatenate([emb, durations, ends], axis=-1)  # [B, L, HIDDEN]
    return out

if __name__ == "__main__":
    import jax
    _d = setup_inputs()
    print(jax.jit(kernel)(*tuple(_d.values())))

</pallas_src>

<mosaic_0001>
#map = affine_map<(d0, d1) -> (0, 0)>
#map1 = affine_map<(d0, d1) -> (0)>
#map2 = affine_map<(d0, d1) -> (0, 0, 0)>
module attributes {stable_mosaic.version = 14 : i64} {
  func.func @_sc_embed(%arg0: i32, %arg1: i32, %arg2: memref<875000x16xf32, #tpu.memory_space<hbm>>, %arg3: memref<819200xi32, #tpu.memory_space<hbm>>, %arg4: memref<819200xf32, #tpu.memory_space<hbm>>, %arg5: memref<4096x200x16xf32, #tpu.memory_space<hbm>>, %arg6: memref<1600xi32, #tpu.memory_space<vmem>>, %arg7: memref<1600xi32, #tpu.memory_space<vmem>>, %arg8: memref<1600xi32, #tpu.memory_space<vmem>>, %arg9: memref<1600xf32, #tpu.memory_space<vmem>>, %arg10: memref<3200xi32, #tpu.memory_space<vmem>>, %arg11: memref<3200x16xf32, #tpu.memory_space<vmem>>, %arg12: memref<1600x16xf32, #tpu.memory_space<vmem>>, %arg13: memref<!tpu.dma_semaphore, #tpu.memory_space<semaphore_mem>>, %arg14: memref<!tpu.dma_semaphore, #tpu.memory_space<semaphore_mem>>) attributes {dimension_semantics = [#tpu.dimension_semantics<core_parallel>, #tpu.dimension_semantics<subcore_parallel>], iteration_bounds = array<i64: 2, 16>, scalar_prefetch = 0 : i64, scratch_operands = 9 : i64, tpu.core_type = #tpu.core_type<sc_vector_subcore>, window_params = [{transform_indices = #map}, {transform_indices = #map1}, {transform_indices = #map1}, {transform_indices = #map2}]} {
    %mul3A = arith.constant 2 : i32
    %mul3A_0 = arith.muli %arg1, %mul3A : i32
    %add3A = arith.addi %mul3A_0, %arg0 : i32
    %iota3A = tpu.iota {dimensions = array<i32: 0>} : vector<16xi32>
    %min3A = arith.constant 13 : i32
    %min3A_1 = vector.broadcast %min3A : i32 to vector<16xi32>
    %min3A_2 = arith.minsi %iota3A, %min3A_1 : vector<16xi32>
    %lt3A = arith.constant 14 : i32
    %lt3A_3 = vector.broadcast %lt3A : i32 to vector<16xi32>
    %lt3A_4 = arith.cmpi slt, %iota3A, %lt3A_3 : vector<16xi32>
    %mul3A_5 = arith.constant 25600 : i32
    %mul3A_6 = arith.muli %add3A, %mul3A_5 : i32
    %add3A_7 = arith.constant 0 : i32
    %add3A_8 = arith.addi %mul3A_6, %add3A_7 : i32
    "tpu.region"() ({
      %run_scoped3A = tpu.sem_alloc : memref<!tpu.dma_semaphore, #tpu.memory_space<semaphore_mem>>
      %dma_start3A_278 = arith.constant 0 : i32
      %dma_start3A_279 = tpu.memref_slice %arg6[%dma_start3A_278] : memref<1600xi32, #tpu.memory_space<vmem>> -> memref<800xi32, #tpu.memory_space<vmem>>
      %dma_start3A_280 = tpu.memref_slice %arg3[%add3A_8] : memref<819200xi32, #tpu.memory_space<hbm>> -> memref<800xi32, #tpu.memory_space<hbm>>
      %dma_start3A_281 = arith.constant 0 : i32
      %dma_start3A_282 = tpu.memref_slice %arg6[%dma_start3A_281] : memref<1600xi32, #tpu.memory_space<vmem>> -> memref<800xi32, #tpu.memory_space<vmem>>
      %dma_start3A_283 = tpu.memref_slice %arg3[%add3A_8] : memref<819200xi32, #tpu.memory_space<hbm>> -> memref<800xi32, #tpu.memory_space<hbm>>
      tpu.enqueue_dma source(%dma_start3A_283 : memref<800xi32, #tpu.memory_space<hbm>>) target(%dma_start3A_282 : memref<800xi32, #tpu.memory_space<vmem>>) target_semaphore(%run_scoped3A : memref<!tpu.dma_semaphore, #tpu.memory_space<semaphore_mem>>)
      %dma_wait3A_284 = arith.constant 0 : i32
      %dma_wait3A_285 = tpu.memref_slice %arg6[%dma_wait3A_284] : memref<1600xi32, #tpu.memory_space<vmem>> -> memref<800xi32, #tpu.memory_space<vmem>>
      %dma_wait3A_286 = tpu.memref_slice %arg3[%add3A_8] : memref<819200xi32, #tpu.memory_space<hbm>> -> memref<800xi32, #tpu.memory_space<hbm>>
      %dma_wait3A_287 = arith.constant 0 : i32
      %dma_wait3A_288 = tpu.memref_slice %arg6[%dma_wait3A_287] : memref<1600xi32, #tpu.memory_space<vmem>> -> memref<800xi32, #tpu.memory_space<vmem>>
      %dma_wait3A_289 = tpu.memref_slice %arg3[%add3A_8] : memref<819200xi32, #tpu.memory_space<hbm>> -> memref<800xi32, #tpu.memory_space<hbm>>
      tpu.wait_dma2 semaphore(%run_scoped3A : memref<!tpu.dma_semaphore, #tpu.memory_space<semaphore_mem>>) src(%dma_wait3A_289 : memref<800xi32, #tpu.memory_space<hbm>>) dst(%dma_wait3A_288 : memref<800xi32, #tpu.memory_space<vmem>>)
      tpu.yield
    }) : () -> ()
    "tpu.region"() ({
      %run_scoped3A = tpu.sem_alloc : memref<!tpu.dma_semaphore, #tpu.memory_space<semaphore_mem>>
      %dma_start3A_278 = arith.constant 0 : i32
      %dma_start3A_279 = tpu.memref_slice %arg9[%dma_start3A_278] : memref<1600xf32, #tpu.memory_space<vmem>> -> memref<800xf32, #tpu.memory_space<vmem>>
      %dma_start3A_280 = tpu.memref_slice %arg4[%add3A_8] : memref<819200xf32, #tpu.memory_space<hbm>> -> memref<800xf32, #tpu.memory_space<hbm>>
      %dma_start3A_281 = arith.constant 0 : i32
      %dma_start3A_282 = tpu.memref_slice %arg9[%dma_start3A_281] : memref<1600xf32, #tpu.memory_space<vmem>> -> memref<800xf32, #tpu.memory_space<vmem>>
      %dma_start3A_283 = tpu.memref_slice %arg4[%add3A_8] : memref<819200xf32, #tpu.memory_space<hbm>> -> memref<800xf32, #tpu.memory_space<hbm>>
      tpu.enqueue_dma source(%dma_start3A_283 : memref<800xf32, #tpu.memory_space<hbm>>) target(%dma_start3A_282 : memref<800xf32, #tpu.memory_space<vmem>>) target_semaphore(%run_scoped3A : memref<!tpu.dma_semaphore, #tpu.memory_space<semaphore_mem>>)
      %dma_wait3A_284 = arith.constant 0 : i32
      %dma_wait3A_285 = tpu.memref_slice %arg9[%dma_wait3A_284] : memref<1600xf32, #tpu.memory_space<vmem>> -> memref<800xf32, #tpu.memory_space<vmem>>
      %dma_wait3A_286 = tpu.memref_slice %arg4[%add3A_8] : memref<819200xf32, #tpu.memory_space<hbm>> -> memref<800xf32, #tpu.memory_space<hbm>>
      %dma_wait3A_287 = arith.constant 0 : i32
      %dma_wait3A_288 = tpu.memref_slice %arg9[%dma_wait3A_287] : memref<1600xf32, #tpu.memory_space<vmem>> -> memref<800xf32, #tpu.memory_space<vmem>>
      %dma_wait3A_289 = tpu.memref_slice %arg4[%add3A_8] : memref<819200xf32, #tpu.memory_space<hbm>> -> memref<800xf32, #tpu.memory_space<hbm>>
      tpu.wait_dma2 semaphore(%run_scoped3A : memref<!tpu.dma_semaphore, #tpu.memory_space<semaphore_mem>>) src(%dma_wait3A_289 : memref<800xf32, #tpu.memory_space<hbm>>) dst(%dma_wait3A_288 : memref<800xf32, #tpu.memory_space<vmem>>)
      tpu.yield
    }) : () -> ()
    %parallel_loop3A = arith.constant 0 : i32
    %parallel_loop3A_9 = arith.constant 50 : i32
    %parallel_loop3A_10 = arith.constant 1 : i32
    scf.for %parallel_loop3A_278 = %parallel_loop3A to %parallel_loop3A_9 step %parallel_loop3A_10  : i32 {
      %parallel_loop3A_279 = arith.constant 16 : i32
      %parallel_loop3A_280 = arith.muli %parallel_loop3A_278, %parallel_loop3A_279 : i32
      %parallel_loop3A_281 = arith.constant 0 : i32
      %parallel_loop3A_282 = arith.addi %parallel_loop3A_281, %parallel_loop3A_280 : i32
      %parallel_loop3A_283 = arith.index_cast %parallel_loop3A_282 : i32 to index
      %parallel_loop3A_284 = tpu.vector_load %arg6[%parallel_loop3A_283] {strides = array<i32>} : memref<1600xi32, #tpu.memory_space<vmem>>, vector<16xi32>,
      %parallel_loop3A_285 = arith.constant 14 : i32
      %parallel_loop3A_286 = vector.broadcast %parallel_loop3A_285 : i32 to vector<16xi32>
      %parallel_loop3A_287 = arith.muli %parallel_loop3A_284, %parallel_loop3A_286 : vector<16xi32>
      %parallel_loop3A_288 = arith.constant 4 : i32
      %parallel_loop3A_289 = vector.broadcast %parallel_loop3A_288 : i32 to vector<16xi32>
      %parallel_loop3A_290 = arith.shrsi %parallel_loop3A_287, %parallel_loop3A_289 : vector<16xi32>
      %parallel_loop3A_291 = arith.constant 16 : i32
      %parallel_loop3A_292 = arith.muli %parallel_loop3A_278, %parallel_loop3A_291 : i32
      %parallel_loop3A_293 = arith.constant 0 : i32
      %parallel_loop3A_294 = arith.addi %parallel_loop3A_293, %parallel_loop3A_292 : i32
      %parallel_loop3A_295 = arith.index_cast %parallel_loop3A_294 : i32 to index
      %parallel_loop3A_296 = tpu.vector_load %arg7[%parallel_loop3A_295] {strides = array<i32>} : memref<1600xi32, #tpu.memory_space<vmem>>, vector<16xi32>,
      tpu.vector_store %arg7[%parallel_loop3A_295], %parallel_loop3A_290 {strides = array<i32>} : memref<1600xi32, #tpu.memory_space<vmem>>, vector<16xi32>,
      %parallel_loop3A_297 = arith.constant 15 : i32
      %parallel_loop3A_298 = vector.broadcast %parallel_loop3A_297 : i32 to vector<16xi32>
      %parallel_loop3A_299 = arith.andi %parallel_loop3A_287, %parallel_loop3A_298 : vector<16xi32>
      %parallel_loop3A_300 = arith.constant 16 : i32
      %parallel_loop3A_301 = arith.muli %parallel_loop3A_278, %parallel_loop3A_300 : i32
      %parallel_loop3A_302 = arith.constant 0 : i32
      %parallel_loop3A_303 = arith.addi %parallel_loop3A_302, %parallel_loop3A_301 : i32
      %parallel_loop3A_304 = arith.index_cast %parallel_loop3A_303 : i32 to index
      %parallel_loop3A_305 = tpu.vector_load %arg8[%parallel_loop3A_304] {strides = array<i32>} : memref<1600xi32, #tpu.memory_space<vmem>>, vector<16xi32>,
      tpu.vector_store %arg8[%parallel_loop3A_304], %parallel_loop3A_299 {strides = array<i32>} : memref<1600xi32, #tpu.memory_space<vmem>>, vector<16xi32>,
    } {sc.loop_unroll_factor = 4 : i64, sc.parallel_access}
    %parallel_loop3A_11 = arith.constant 0 : i32
    %parallel_loop3A_12 = arith.constant 100 : i32
    %parallel_loop3A_13 = arith.constant 1 : i32
    scf.for %parallel_loop3A_278 = %parallel_loop3A_11 to %parallel_loop3A_12 step %parallel_loop3A_13  : i32 {
      %parallel_loop3A_279 = arith.constant 16 : i32
      %parallel_loop3A_280 = arith.muli %parallel_loop3A_278, %parallel_loop3A_279 : i32
      %parallel_loop3A_281 = vector.broadcast %parallel_loop3A_280 : i32 to vector<16xi32>
      %parallel_loop3A_282 = arith.addi %parallel_loop3A_281, %iota3A : vector<16xi32>
      %parallel_loop3A_283 = arith.constant 1 : i32
      %parallel_loop3A_284 = vector.broadcast %parallel_loop3A_283 : i32 to vector<16xi32>
      %parallel_loop3A_285 = arith.shrsi %parallel_loop3A_282, %parallel_loop3A_284 : vector<16xi32>
      %parallel_loop3A_286 = arith.constant 0 : i32
      %parallel_loop3A_287 = vector.broadcast %parallel_loop3A_286 : i32 to vector<16xi32>
      %parallel_loop3A_288 = arith.addi %parallel_loop3A_287, %parallel_loop3A_285 : vector<16xi32>
      %parallel_loop3A_289 = tpu.vector_load_idx %arg7[%parallel_loop3A_288] : memref<1600xi32, #tpu.memory_space<vmem>>[vector<16xi32>], vector<16xi32>,
      %parallel_loop3A_290 = arith.constant 1 : i32
      %parallel_loop3A_291 = vector.broadcast %parallel_loop3A_290 : i32 to vector<16xi32>
      %parallel_loop3A_292 = arith.andi %parallel_loop3A_282, %parallel_loop3A_291 : vector<16xi32>
      %parallel_loop3A_293 = arith.addi %parallel_loop3A_289, %parallel_loop3A_292 : vector<16xi32>
      %parallel_loop3A_294 = arith.constant 874999 : i32
      %parallel_loop3A_295 = vector.broadcast %parallel_loop3A_294 : i32 to vector<16xi32>
      %parallel_loop3A_296 = arith.minsi %parallel_loop3A_293, %parallel_loop3A_295 : vector<16xi32>
      %parallel_loop3A_297 = arith.constant 16 : i32
      %parallel_loop3A_298 = arith.muli %parallel_loop3A_278, %parallel_loop3A_297 : i32
      %parallel_loop3A_299 = arith.constant 0 : i32
      %parallel_loop3A_300 = arith.addi %parallel_loop3A_299, %parallel_loop3A_298 : i32
      %parallel_loop3A_301 = arith.index_cast %parallel_loop3A_300 : i32 to index
      %parallel_loop3A_302 = tpu.vector_load %arg10[%parallel_loop3A_301] {strides = array<i32>} : memref<3200xi32, #tpu.memory_space<vmem>>, vector<16xi32>,
      tpu.vector_store %arg10[%parallel_loop3A_301], %parallel_loop3A_296 {strides = array<i32>} : memref<3200xi32, #tpu.memory_space<vmem>>, vector<16xi32>,
    } {sc.loop_unroll_factor = 4 : i64, sc.parallel_access}
    %dma_start3A = arith.constant 0 : i32
    %dma_start3A_14 = arith.constant 0 : i32
    %dma_start3A_15 = tpu.memref_slice %arg11[%dma_start3A, %dma_start3A_14] : memref<3200x16xf32, #tpu.memory_space<vmem>> -> memref<128x16xf32, #tpu.memory_space<vmem>>
    %dma_start3A_16 = arith.constant 0 : i32
    %dma_start3A_17 = tpu.memref_slice %arg10[%dma_start3A_16] : memref<3200xi32, #tpu.memory_space<vmem>> -> memref<128xi32, #tpu.memory_space<vmem>>
    %dma_start3A_18 = arith.constant 0 : i32
    %dma_start3A_19 = arith.constant 0 : i32
    %dma_start3A_20 = tpu.memref_slice %arg2[%dma_start3A_18, %dma_start3A_19] : memref<875000x16xf32, #tpu.memory_space<hbm>> -> memref<875000x16xf32, #tpu.memory_space<hbm>>
    tpu.enqueue_indirect_dma source(%dma_start3A_20 : memref<875000x16xf32, #tpu.memory_space<hbm>>) target(%dma_start3A_15 : memref<128x16xf32, #tpu.memory_space<vmem>>) offsets(%dma_start3A_17 : memref<128xi32, #tpu.memory_space<vmem>>) semaphore(%arg13 : memref<!tpu.dma_semaphore, #tpu.memory_space<semaphore_mem>>)
    %dma_start3A_21 = arith.constant 128 : i32
    %dma_start3A_22 = arith.constant 0 : i32
    %dma_start3A_23 = tpu.memref_slice %arg11[%dma_start3A_21, %dma_start3A_22] : memref<3200x16xf32, #tpu.memory_space<vmem>> -> memref<128x16xf32, #tpu.memory_space<vmem>>
    %dma_start3A_24 = arith.constant 128 : i32
    %dma_start3A_25 = tpu.memref_slice %arg10[%dma_start3A_24] : memref<3200xi32, #tpu.memory_space<vmem>> -> memref<128xi32, #tpu.memory_space<vmem>>
    %dma_start3A_26 = arith.constant 0 : i32
    %dma_start3A_27 = arith.constant 0 : i32
    %dma_start3A_28 = tpu.memref_slice %arg2[%dma_start3A_26, %dma_start3A_27] : memref<875000x16xf32, #tpu.memory_space<hbm>> -> memref<875000x16xf32, #tpu.memory_space<hbm>>
    tpu.enqueue_indirect_dma source(%dma_start3A_28 : memref<875000x16xf32, #tpu.memory_space<hbm>>) target(%dma_start3A_23 : memref<128x16xf32, #tpu.memory_space<vmem>>) offsets(%dma_start3A_25 : memref<128xi32, #tpu.memory_space<vmem>>) semaphore(%arg13 : memref<!tpu.dma_semaphore, #tpu.memory_space<semaphore_mem>>)
    %dma_start3A_29 = arith.constant 256 : i32
    %dma_start3A_30 = arith.constant 0 : i32
    %dma_start3A_31 = tpu.memref_slice %arg11[%dma_start3A_29, %dma_start3A_30] : memref<3200x16xf32, #tpu.memory_space<vmem>> -> memref<128x16xf32, #tpu.memory_space<vmem>>
    %dma_start3A_32 = arith.constant 256 : i32
    %dma_start3A_33 = tpu.memref_slice %arg10[%dma_start3A_32] : memref<3200xi32, #tpu.memory_space<vmem>> -> memref<128xi32, #tpu.memory_space<vmem>>
    %dma_start3A_34 = arith.constant 0 : i32
    %dma_start3A_35 = arith.constant 0 : i32
    %dma_start3A_36 = tpu.memref_slice %arg2[%dma_start3A_34, %dma_start3A_35] : memref<875000x16xf32, #tpu.memory_space<hbm>> -> memref<875000x16xf32, #tpu.memory_space<hbm>>
    tpu.enqueue_indirect_dma source(%dma_start3A_36 : memref<875000x16xf32, #tpu.memory_space<hbm>>) target(%dma_start3A_31 : memref<128x16xf32, #tpu.memory_space<vmem>>) offsets(%dma_start3A_33 : memref<128xi32, #tpu.memory_space<vmem>>) semaphore(%arg13 : memref<!tpu.dma_semaphore, #tpu.memory_space<semaphore_mem>>)
    %dma_start3A_37 = arith.constant 384 : i32
    %dma_start3A_38 = arith.constant 0 : i32
    %dma_start3A_39 = tpu.memref_slice %arg11[%dma_start3A_37, %dma_start3A_38] : memref<3200x16xf32, #tpu.memory_space<vmem>> -> memref<128x16xf32, #tpu.memory_space<vmem>>
    %dma_start3A_40 = arith.constant 384 : i32
    %dma_start3A_41 = tpu.memref_slice %arg10[%dma_start3A_40] : memref<3200xi32, #tpu.memory_space<vmem>> -> memref<128xi32, #tpu.memory_space<vmem>>
    %dma_start3A_42 = arith.constant 0 : i32
    %dma_start3A_43 = arith.constant 0 : i32
    %dma_start3A_44 = tpu.memref_slice %arg2[%dma_start3A_42, %dma_start3A_43] : memref<875000x16xf32, #tpu.memory_space<hbm>> -> memref<875000x16xf32, #tpu.memory_space<hbm>>
    tpu.enqueue_indirect_dma source(%dma_start3A_44 : memref<875000x16xf32, #tpu.memory_space<hbm>>) target(%dma_start3A_39 : memref<128x16xf32, #tpu.memory_space<vmem>>) offsets(%dma_start3A_41 : memref<128xi32, #tpu.memory_space<vmem>>) semaphore(%arg13 : memref<!tpu.dma_semaphore, #tpu.memory_space<semaphore_mem>>)
    %dma_start3A_45 = arith.constant 512 : i32
    %dma_start3A_46 = arith.constant 0 : i32
    %dma_start3A_47 = tpu.memref_slice %arg11[%dma_start3A_45, %dma_start3A_46] : memref<3200x16xf32, #tpu.memory_space<vmem>> -> memref<128x16xf32, #tpu.memory_space<vmem>>
    %dma_start3A_48 = arith.constant 512 : i32
    %dma_start3A_49 = tpu.memref_slice %arg10[%dma_start3A_48] : memref<3200xi32, #tpu.memory_space<vmem>> -> memref<128xi32, #tpu.memory_space<vmem>>
    %dma_start3A_50 = arith.constant 0 : i32
    %dma_start3A_51 = arith.constant 0 : i32
    %dma_start3A_52 = tpu.memref_slice %arg2[%dma_start3A_50, %dma_start3A_51] : memref<875000x16xf32, #tpu.memory_space<hbm>> -> memref<875000x16xf32, #tpu.memory_space<hbm>>
    tpu.enqueue_indirect_dma source(%dma_start3A_52 : memref<875000x16xf32, #tpu.memory_space<hbm>>) target(%dma_start3A_47 : memref<128x16xf32, #tpu.memory_space<vmem>>) offsets(%dma_start3A_49 : memref<128xi32, #tpu.memory_space<vmem>>) semaphore(%arg13 : memref<!tpu.dma_semaphore, #tpu.memory_space<semaphore_mem>>)
    %dma_start3A_53 = arith.constant 640 : i32
    %dma_start3A_54 = arith.constant 0 : i32
    %dma_start3A_55 = tpu.memref_slice %arg11[%dma_start3A_53, %dma_start3A_54] : memref<3200x16xf32, #tpu.memory_space<vmem>> -> memref<128x16xf32, #tpu.memory_space<vmem>>
    %dma_start3A_56 = arith.constant 640 : i32
    %dma_start3A_57 = tpu.memref_slice %arg10[%dma_start3A_56] : memref<3200xi32, #tpu.memory_space<vmem>> -> memref<128xi32, #tpu.memory_space<vmem>>
    %dma_start3A_58 = arith.constant 0 : i32
    %dma_start3A_59 = arith.constant 0 : i32
    %dma_start3A_60 = tpu.memref_slice %arg2[%dma_start3A_58, %dma_start3A_59] : memref<875000x16xf32, #tpu.memory_space<hbm>> -> memref<875000x16xf32, #tpu.memory_space<hbm>>
    tpu.enqueue_indirect_dma source(%dma_start3A_60 : memref<875000x16xf32, #tpu.memory_space<hbm>>) target(%dma_start3A_55 : memref<128x16xf32, #tpu.memory_space<vmem>>) offsets(%dma_start3A_57 : memref<128xi32, #tpu.memory_space<vmem>>) semaphore(%arg13 : memref<!tpu.dma_semaphore, #tpu.memory_space<semaphore_mem>>)
    %dma_start3A_61 = arith.constant 768 : i32
    %dma_start3A_62 = arith.constant 0 : i32
    %dma_start3A_63 = tpu.memref_slice %arg11[%dma_start3A_61, %dma_start3A_62] : memref<3200x16xf32, #tpu.memory_space<vmem>> -> memref<128x16xf32, #tpu.memory_space<vmem>>
    %dma_start3A_64 = arith.constant 768 : i32
    %dma_start3A_65 = tpu.memref_slice %arg10[%dma_start3A_64] : memref<3200xi32, #tpu.memory_space<vmem>> -> memref<128xi32, #tpu.memory_space<vmem>>
    %dma_start3A_66 = arith.constant 0 : i32
    %dma_start3A_67 = arith.constant 0 : i32
    %dma_start3A_68 = tpu.memref_slice %arg2[%dma_start3A_66, %dma_start3A_67] : memref<875000x16xf32, #tpu.memory_space<hbm>> -> memref<875000x16xf32, #tpu.memory_space<hbm>>
    tpu.enqueue_indirect_dma source(%dma_start3A_68 : memref<875000x16xf32, #tpu.memory_space<hbm>>) target(%dma_start3A_63 : memref<128x16xf32, #tpu.memory_space<vmem>>) offsets(%dma_start3A_65 : memref<128xi32, #tpu.memory_space<vmem>>) semaphore(%arg13 : memref<!tpu.dma_semaphore, #tpu.memory_space<semaphore_mem>>)
    %dma_start3A_69 = arith.constant 896 : i32
    %dma_start3A_70 = arith.constant 0 : i32
    %dma_start3A_71 = tpu.memref_slice %arg11[%dma_start3A_69, %dma_start3A_70] : memref<3200x16xf32, #tpu.memory_space<vmem>> -> memref<128x16xf32, #tpu.memory_space<vmem>>
    %dma_start3A_72 = arith.constant 896 : i32
    %dma_start3A_73 = tpu.memref_slice %arg10[%dma_start3A_72] : memref<3200xi32, #tpu.memory_space<vmem>> -> memref<128xi32, #tpu.memory_space<vmem>>
    %dma_start3A_74 = arith.constant 0 : i32
    %dma_start3A_75 = arith.constant 0 : i32
    %dma_start3A_76 = tpu.memref_slice %arg2[%dma_start3A_74, %dma_start3A_75] : memref<875000x16xf32, #tpu.memory_space<hbm>> -> memref<875000x16xf32, #tpu.memory_space<hbm>>
    tpu.enqueue_indirect_dma source(%dma_start3A_76 : memref<875000x16xf32, #tpu.memory_space<hbm>>) target(%dma_start3A_71 : memref<128x16xf32, #tpu.memory_space<vmem>>) offsets(%dma_start3A_73 : memref<128xi32, #tpu.memory_space<vmem>>) semaphore(%arg13 : memref<!tpu.dma_semaphore, #tpu.memory_space<semaphore_mem>>)
    %dma_start3A_77 = arith.constant 1024 : i32
    %dma_start3A_78 = arith.constant 0 : i32
    %dma_start3A_79 = tpu.memref_slice %arg11[%dma_start3A_77, %dma_start3A_78] : memref<3200x16xf32, #tpu.memory_space<vmem>> -> memref<128x16xf32, #tpu.memory_space<vmem>>
    %dma_start3A_80 = arith.constant 1024 : i32
    %dma_start3A_81 = tpu.memref_slice %arg10[%dma_start3A_80] : memref<3200xi32, #tpu.memory_space<vmem>> -> memref<128xi32, #tpu.memory_space<vmem>>
    %dma_start3A_82 = arith.constant 0 : i32
    %dma_start3A_83 = arith.constant 0 : i32
    %dma_start3A_84 = tpu.memref_slice %arg2[%dma_start3A_82, %dma_start3A_83] : memref<875000x16xf32, #tpu.memory_space<hbm>> -> memref<875000x16xf32, #tpu.memory_space<hbm>>
    tpu.enqueue_indirect_dma source(%dma_start3A_84 : memref<875000x16xf32, #tpu.memory_space<hbm>>) target(%dma_start3A_79 : memref<128x16xf32, #tpu.memory_space<vmem>>) offsets(%dma_start3A_81 : memref<128xi32, #tpu.memory_space<vmem>>) semaphore(%arg13 : memref<!tpu.dma_semaphore, #tpu.memory_space<semaphore_mem>>)
    %dma_start3A_85 = arith.constant 1152 : i32
    %dma_start3A_86 = arith.constant 0 : i32
    %dma_start3A_87 = tpu.memref_slice %arg11[%dma_start3A_85, %dma_start3A_86] : memref<3200x16xf32, #tpu.memory_space<vmem>> -> memref<128x16xf32, #tpu.memory_space<vmem>>
    %dma_start3A_88 = arith.constant 1152 : i32
    %dma_start3A_89 = tpu.memref_slice %arg10[%dma_start3A_88] : memref<3200xi32, #tpu.memory_space<vmem>> -> memref<128xi32, #tpu.memory_space<vmem>>
    %dma_start3A_90 = arith.constant 0 : i32
    %dma_start3A_91 = arith.constant 0 : i32
    %dma_start3A_92 = tpu.memref_slice %arg2[%dma_start3A_90, %dma_start3A_91] : memref<875000x16xf32, #tpu.memory_space<hbm>> -> memref<875000x16xf32, #tpu.memory_space<hbm>>
    tpu.enqueue_indirect_dma source(%dma_start3A_92 : memref<875000x16xf32, #tpu.memory_space<hbm>>) target(%dma_start3A_87 : memref<128x16xf32, #tpu.memory_space<vmem>>) offsets(%dma_start3A_89 : memref<128xi32, #tpu.memory_space<vmem>>) semaphore(%arg13 : memref<!tpu.dma_semaphore, #tpu.memory_space<semaphore_mem>>)
    %dma_start3A_93 = arith.constant 1280 : i32
    %dma_start3A_94 = arith.constant 0 : i32
    %dma_start3A_95 = tpu.memref_slice %arg11[%dma_start3A_93, %dma_start3A_94] : memref<3200x16xf32, #tpu.memory_space<vmem>> -> memref<128x16xf32, #tpu.memory_space<vmem>>
    %dma_start3A_96 = arith.constant 1280 : i32
    %dma_start3A_97 = tpu.memref_slice %arg10[%dma_start3A_96] : memref<3200xi32, #tpu.memory_space<vmem>> -> memref<128xi32, #tpu.memory_space<vmem>>
    %dma_start3A_98 = arith.constant 0 : i32
    %dma_start3A_99 = arith.constant 0 : i32
    %dma_start3A_100 = tpu.memref_slice %arg2[%dma_start3A_98, %dma_start3A_99] : memref<875000x16xf32, #tpu.memory_space<hbm>> -> memref<875000x16xf32, #tpu.memory_space<hbm>>
    tpu.enqueue_indirect_dma source(%dma_start3A_100 : memref<875000x16xf32, #tpu.memory_space<hbm>>) target(%dma_start3A_95 : memref<128x16xf32, #tpu.memory_space<vmem>>) offsets(%dma_start3A_97 : memref<128xi32, #tpu.memory_space<vmem>>) semaphore(%arg13 : memref<!tpu.dma_semaphore, #tpu.memory_space<semaphore_mem>>)
    %dma_start3A_101 = arith.constant 1408 : i32
    %dma_start3A_102 = arith.constant 0 : i32
    %dma_start3A_103 = tpu.memref_slice %arg11[%dma_start3A_101, %dma_start3A_102] : memref<3200x16xf32, #tpu.memory_space<vmem>> -> memref<128x16xf32, #tpu.memory_space<vmem>>
    %dma_start3A_104 = arith.constant 1408 : i32
    %dma_start3A_105 = tpu.memref_slice %arg10[%dma_start3A_104] : memref<3200xi32, #tpu.memory_space<vmem>> -> memref<128xi32, #tpu.memory_space<vmem>>
    %dma_start3A_106 = arith.constant 0 : i32
    %dma_start3A_107 = arith.constant 0 : i32
    %dma_start3A_108 = tpu.memref_slice %arg2[%dma_start3A_106, %dma_start3A_107] : memref<875000x16xf32, #tpu.memory_space<hbm>> -> memref<875000x16xf32, #tpu.memory_space<hbm>>
    tpu.enqueue_indirect_dma source(%dma_start3A_108 : memref<875000x16xf32, #tpu.memory_space<hbm>>) target(%dma_start3A_103 : memref<128x16xf32, #tpu.memory_space<vmem>>) offsets(%dma_start3A_105 : memref<128xi32, #tpu.memory_space<vmem>>) semaphore(%arg13 : memref<!tpu.dma_semaphore, #tpu.memory_space<semaphore_mem>>)
    %dma_start3A_109 = arith.constant 1536 : i32
    %dma_start3A_110 = arith.constant 0 : i32
    %dma_start3A_111 = tpu.memref_slice %arg11[%dma_start3A_109, %dma_start3A_110] : memref<3200x16xf32, #tpu.memory_space<vmem>> -> memref<64x16xf32, #tpu.memory_space<vmem>>
    %dma_start3A_112 = arith.constant 1536 : i32
    %dma_start3A_113 = tpu.memref_slice %arg10[%dma_start3A_112] : memref<3200xi32, #tpu.memory_space<vmem>> -> memref<64xi32, #tpu.memory_space<vmem>>
    %dma_start3A_114 = arith.constant 0 : i32
    %dma_start3A_115 = arith.constant 0 : i32
    %dma_start3A_116 = tpu.memref_slice %arg2[%dma_start3A_114, %dma_start3A_115] : memref<875000x16xf32, #tpu.memory_space<hbm>> -> memref<875000x16xf32, #tpu.memory_space<hbm>>
    tpu.enqueue_indirect_dma source(%dma_start3A_116 : memref<875000x16xf32, #tpu.memory_space<hbm>>) target(%dma_start3A_111 : memref<64x16xf32, #tpu.memory_space<vmem>>) offsets(%dma_start3A_113 : memref<64xi32, #tpu.memory_space<vmem>>) semaphore(%arg13 : memref<!tpu.dma_semaphore, #tpu.memory_space<semaphore_mem>>)
    %scan3A = arith.constant 0 : i32
    %scan3A_117 = arith.constant 0 : i32
    %scan3A_118 = arith.constant 32 : i32
    %scan3A_119 = arith.addi %scan3A_117, %scan3A_118 : i32
    %scan3A_120 = arith.constant 1 : i32
    scf.for %scan3A_278 = %scan3A_117 to %scan3A_119 step %scan3A_120  : i32 {
      %rem3A_279 = arith.constant 2 : i32
      %rem3A_280 = arith.remsi %scan3A_278, %rem3A_279 : i32
      %sub3A = arith.constant 1 : i32
      %sub3A_281 = arith.subi %sub3A, %rem3A_280 : i32
      %add3A_282 = arith.constant 1 : i32
      %add3A_283 = arith.addi %scan3A_278, %add3A_282 : i32
      %lt3A_284 = arith.constant 32 : i32
      %lt3A_285 = arith.cmpi slt, %add3A_283, %lt3A_284 : i32
      %convert_element_type3A = arith.extui %lt3A_285 : i1 to i32
      %cond3A = arith.constant 0 : i32
      %cond3A_286 = arith.cmpi ne, %convert_element_type3A, %cond3A : i32
      scf.if %cond3A_286 {
        %add3A_549 = arith.constant 1 : i32
        %add3A_550 = arith.addi %scan3A_278, %add3A_549 : i32
        %mul3A_551 = arith.constant 25600 : i32
        %mul3A_552 = arith.muli %add3A, %mul3A_551 : i32
        %mul3A_553 = arith.constant 800 : i32
        %mul3A_554 = arith.muli %add3A_550, %mul3A_553 : i32
        %add3A_555 = arith.addi %mul3A_552, %mul3A_554 : i32
        %mul3A_556 = arith.constant 800 : i32
        %mul3A_557 = arith.muli %sub3A_281, %mul3A_556 : i32
        "tpu.region"() ({
          %run_scoped3A = tpu.sem_alloc : memref<!tpu.dma_semaphore, #tpu.memory_space<semaphore_mem>>
          %dma_start3A_752 = tpu.memref_slice %arg6[%mul3A_557] : memref<1600xi32, #tpu.memory_space<vmem>> -> memref<800xi32, #tpu.memory_space<vmem>>
          %dma_start3A_753 = tpu.memref_slice %arg3[%add3A_555] : memref<819200xi32, #tpu.memory_space<hbm>> -> memref<800xi32, #tpu.memory_space<hbm>>
          %dma_start3A_754 = tpu.memref_slice %arg6[%mul3A_557] : memref<1600xi32, #tpu.memory_space<vmem>> -> memref<800xi32, #tpu.memory_space<vmem>>
          %dma_start3A_755 = tpu.memref_slice %arg3[%add3A_555] : memref<819200xi32, #tpu.memory_space<hbm>> -> memref<800xi32, #tpu.memory_space<hbm>>
          tpu.enqueue_dma source(%dma_start3A_755 : memref<800xi32, #tpu.memory_space<hbm>>) target(%dma_start3A_754 : memref<800xi32, #tpu.memory_space<vmem>>) target_semaphore(%run_scoped3A : memref<!tpu.dma_semaphore, #tpu.memory_space<semaphore_mem>>)
          %dma_wait3A_756 = tpu.memref_slice %arg6[%mul3A_557] : memref<1600xi32, #tpu.memory_space<vmem>> -> memref<800xi32, #tpu.memory_space<vmem>>
          %dma_wait3A_757 = tpu.memref_slice %arg3[%add3A_555] : memref<819200xi32, #tpu.memory_space<hbm>> -> memref<800xi32, #tpu.memory_space<hbm>>
          %dma_wait3A_758 = tpu.memref_slice %arg6[%mul3A_557] : memref<1600xi32, #tpu.memory_space<vmem>> -> memref<800xi32, #tpu.memory_space<vmem>>
          %dma_wait3A_759 = tpu.memref_slice %arg3[%add3A_555] : memref<819200xi32, #tpu.memory_space<hbm>> -> memref<800xi32, #tpu.memory_space<hbm>>
          tpu.wait_dma2 semaphore(%run_scoped3A : memref<!tpu.dma_semaphore, #tpu.memory_space<semaphore_mem>>) src(%dma_wait3A_759 : memref<800xi32, #tpu.memory_space<hbm>>) dst(%dma_wait3A_758 : memref<800xi32, #tpu.memory_space<vmem>>)
          tpu.yield
        }) : () -> ()
        %mul3A_558 = arith.constant 800 : i32
        %mul3A_559 = arith.muli %sub3A_281, %mul3A_558 : i32
        "tpu.region"() ({
          %run_scoped3A = tpu.sem_alloc : memref<!tpu.dma_semaphore, #tpu.memory_space<semaphore_mem>>
          %dma_start3A_752 = tpu.memref_slice %arg9[%mul3A_559] : memref<1600xf32, #tpu.memory_space<vmem>> -> memref<800xf32, #tpu.memory_space<vmem>>
          %dma_start3A_753 = tpu.memref_slice %arg4[%add3A_555] : memref<819200xf32, #tpu.memory_space<hbm>> -> memref<800xf32, #tpu.memory_space<hbm>>
          %dma_start3A_754 = tpu.memref_slice %arg9[%mul3A_559] : memref<1600xf32, #tpu.memory_space<vmem>> -> memref<800xf32, #tpu.memory_space<vmem>>
          %dma_start3A_755 = tpu.memref_slice %arg4[%add3A_555] : memref<819200xf32, #tpu.memory_space<hbm>> -> memref<800xf32, #tpu.memory_space<hbm>>
          tpu.enqueue_dma source(%dma_start3A_755 : memref<800xf32, #tpu.memory_space<hbm>>) target(%dma_start3A_754 : memref<800xf32, #tpu.memory_space<vmem>>) target_semaphore(%run_scoped3A : memref<!tpu.dma_semaphore, #tpu.memory_space<semaphore_mem>>)
          %dma_wait3A_756 = tpu.memref_slice %arg9[%mul3A_559] : memref<1600xf32, #tpu.memory_space<vmem>> -> memref<800xf32, #tpu.memory_space<vmem>>
          %dma_wait3A_757 = tpu.memref_slice %arg4[%add3A_555] : memref<819200xf32, #tpu.memory_space<hbm>> -> memref<800xf32, #tpu.memory_space<hbm>>
          %dma_wait3A_758 = tpu.memref_slice %arg9[%mul3A_559] : memref<1600xf32, #tpu.memory_space<vmem>> -> memref<800xf32, #tpu.memory_space<vmem>>
          %dma_wait3A_759 = tpu.memref_slice %arg4[%add3A_555] : memref<819200xf32, #tpu.memory_space<hbm>> -> memref<800xf32, #tpu.memory_space<hbm>>
          tpu.wait_dma2 semaphore(%run_scoped3A : memref<!tpu.dma_semaphore, #tpu.memory_space<semaphore_mem>>) src(%dma_wait3A_759 : memref<800xf32, #tpu.memory_space<hbm>>) dst(%dma_wait3A_758 : memref<800xf32, #tpu.memory_space<vmem>>)
          tpu.yield
        }) : () -> ()
        %parallel_loop3A_560 = arith.constant 0 : i32
        %parallel_loop3A_561 = arith.constant 50 : i32
        %parallel_loop3A_562 = arith.constant 1 : i32
        scf.for %parallel_loop3A_752 = %parallel_loop3A_560 to %parallel_loop3A_561 step %parallel_loop3A_562  : i32 {
          %parallel_loop3A_753 = arith.constant 800 : i32
          %parallel_loop3A_754 = arith.muli %sub3A_281, %parallel_loop3A_753 : i32
          %parallel_loop3A_755 = arith.constant 16 : i32
          %parallel_loop3A_756 = arith.muli %parallel_loop3A_752, %parallel_loop3A_755 : i32
          %parallel_loop3A_757 = arith.addi %parallel_loop3A_754, %parallel_loop3A_756 : i32
          %parallel_loop3A_758 = arith.index_cast %parallel_loop3A_757 : i32 to index
          %parallel_loop3A_759 = tpu.vector_load %arg6[%parallel_loop3A_758] {strides = array<i32>} : memref<1600xi32, #tpu.memory_space<vmem>>, vector<16xi32>,
          %parallel_loop3A_760 = arith.constant 14 : i32
          %parallel_loop3A_761 = vector.broadcast %parallel_loop3A_760 : i32 to vector<16xi32>
          %parallel_loop3A_762 = arith.muli %parallel_loop3A_759, %parallel_loop3A_761 : vector<16xi32>
          %parallel_loop3A_763 = arith.constant 4 : i32
          %parallel_loop3A_764 = vector.broadcast %parallel_loop3A_763 : i32 to vector<16xi32>
          %parallel_loop3A_765 = arith.shrsi %parallel_loop3A_762, %parallel_loop3A_764 : vector<16xi32>
          %parallel_loop3A_766 = arith.constant 800 : i32
          %parallel_loop3A_767 = arith.muli %sub3A_281, %parallel_loop3A_766 : i32
          %parallel_loop3A_768 = arith.constant 16 : i32
          %parallel_loop3A_769 = arith.muli %parallel_loop3A_752, %parallel_loop3A_768 : i32
          %parallel_loop3A_770 = arith.addi %parallel_loop3A_767, %parallel_loop3A_769 : i32
          %parallel_loop3A_771 = arith.index_cast %parallel_loop3A_770 : i32 to index
          %parallel_loop3A_772 = tpu.vector_load %arg7[%parallel_loop3A_771] {strides = array<i32>} : memref<1600xi32, #tpu.memory_space<vmem>>, vector<16xi32>,
          tpu.vector_store %arg7[%parallel_loop3A_771], %parallel_loop3A_765 {strides = array<i32>} : memref<1600xi32, #tpu.memory_space<vmem>>, vector<16xi32>,
          %parallel_loop3A_773 = arith.constant 15 : i32
          %parallel_loop3A_774 = vector.broadcast %parallel_loop3A_773 : i32 to vector<16xi32>
          %parallel_loop3A_775 = arith.andi %parallel_loop3A_762, %parallel_loop3A_774 : vector<16xi32>
          %parallel_loop3A_776 = arith.constant 800 : i32
          %parallel_loop3A_777 = arith.muli %sub3A_281, %parallel_loop3A_776 : i32
          %parallel_loop3A_778 = arith.constant 16 : i32
          %parallel_loop3A_779 = arith.muli %parallel_loop3A_752, %parallel_loop3A_778 : i32
          %parallel_loop3A_780 = arith.addi %parallel_loop3A_777, %parallel_loop3A_779 : i32
          %parallel_loop3A_781 = arith.index_cast %parallel_loop3A_780 : i32 to index
          %parallel_loop3A_782 = tpu.vector_load %arg8[%parallel_loop3A_781] {strides = array<i32>} : memref<1600xi32, #tpu.memory_space<vmem>>, vector<16xi32>,
          tpu.vector_store %arg8[%parallel_loop3A_781], %parallel_loop3A_775 {strides = array<i32>} : memref<1600xi32, #tpu.memory_space<vmem>>, vector<16xi32>,
        } {sc.loop_unroll_factor = 4 : i64, sc.parallel_access}
        %parallel_loop3A_563 = arith.constant 0 : i32
        %parallel_loop3A_564 = arith.constant 100 : i32
        %parallel_loop3A_565 = arith.constant 1 : i32
        scf.for %parallel_loop3A_752 = %parallel_loop3A_563 to %parallel_loop3A_564 step %parallel_loop3A_565  : i32 {
          %parallel_loop3A_753 = arith.constant 16 : i32
          %parallel_loop3A_754 = arith.muli %parallel_loop3A_752, %parallel_loop3A_753 : i32
          %parallel_loop3A_755 = vector.broadcast %parallel_loop3A_754 : i32 to vector<16xi32>
          %parallel_loop3A_756 = arith.addi %parallel_loop3A_755, %iota3A : vector<16xi32>
          %parallel_loop3A_757 = arith.constant 800 : i32
          %parallel_loop3A_758 = arith.muli %sub3A_281, %parallel_loop3A_757 : i32
          %parallel_loop3A_759 = arith.constant 1 : i32
          %parallel_loop3A_760 = vector.broadcast %parallel_loop3A_759 : i32 to vector<16xi32>
          %parallel_loop3A_761 = arith.shrsi %parallel_loop3A_756, %parallel_loop3A_760 : vector<16xi32>
          %parallel_loop3A_762 = vector.broadcast %parallel_loop3A_758 : i32 to vector<16xi32>
          %parallel_loop3A_763 = arith.addi %parallel_loop3A_762, %parallel_loop3A_761 : vector<16xi32>
          %parallel_loop3A_764 = tpu.vector_load_idx %arg7[%parallel_loop3A_763] : memref<1600xi32, #tpu.memory_space<vmem>>[vector<16xi32>], vector<16xi32>,
          %parallel_loop3A_765 = arith.constant 1 : i32
          %parallel_loop3A_766 = vector.broadcast %parallel_loop3A_765 : i32 to vector<16xi32>
          %parallel_loop3A_767 = arith.andi %parallel_loop3A_756, %parallel_loop3A_766 : vector<16xi32>
          %parallel_loop3A_768 = arith.addi %parallel_loop3A_764, %parallel_loop3A_767 : vector<16xi32>
          %parallel_loop3A_769 = arith.constant 874999 : i32
          %parallel_loop3A_770 = vector.broadcast %parallel_loop3A_769 : i32 to vector<16xi32>
          %parallel_loop3A_771 = arith.minsi %parallel_loop3A_768, %parallel_loop3A_770 : vector<16xi32>
          %parallel_loop3A_772 = arith.constant 1600 : i32
          %parallel_loop3A_773 = arith.muli %sub3A_281, %parallel_loop3A_772 : i32
          %parallel_loop3A_774 = arith.constant 16 : i32
          %parallel_loop3A_775 = arith.muli %parallel_loop3A_752, %parallel_loop3A_774 : i32
          %parallel_loop3A_776 = arith.addi %parallel_loop3A_773, %parallel_loop3A_775 : i32
          %parallel_loop3A_777 = arith.index_cast %parallel_loop3A_776 : i32 to index
          %parallel_loop3A_778 = tpu.vector_load %arg10[%parallel_loop3A_777] {strides = array<i32>} : memref<3200xi32, #tpu.memory_space<vmem>>, vector<16xi32>,
          tpu.vector_store %arg10[%parallel_loop3A_777], %parallel_loop3A_771 {strides = array<i32>} : memref<3200xi32, #tpu.memory_space<vmem>>, vector<16xi32>,
        } {sc.loop_unroll_factor = 4 : i64, sc.parallel_access}
        %ge3A = arith.constant 1 : i32
        %ge3A_566 = arith.cmpi sge, %scan3A_278, %ge3A : i32
        %convert_element_type3A_567 = arith.extui %ge3A_566 : i1 to i32
        %cond3A_568 = arith.constant 0 : i32
        %cond3A_569 = arith.cmpi ne, %convert_element_type3A_567, %cond3A_568 : i32
        scf.if %cond3A_569 {
          %sub3A_752 = arith.constant 1 : i32
          %sub3A_753 = arith.subi %scan3A_278, %sub3A_752 : i32
          %mul3A_754 = arith.constant 128 : i32
          %mul3A_755 = arith.muli %add3A, %mul3A_754 : i32
          %mul3A_756 = arith.constant 4 : i32
          %mul3A_757 = arith.muli %sub3A_753, %mul3A_756 : i32
          %add3A_758 = arith.addi %mul3A_755, %mul3A_757 : i32
          %mul3A_759 = arith.constant 800 : i32
          %mul3A_760 = arith.muli %sub3A_281, %mul3A_759 : i32
          %add3A_761 = arith.constant 0 : i32
          %add3A_762 = arith.addi %mul3A_760, %add3A_761 : i32
          %add3A_763 = arith.constant 0 : i32
          %add3A_764 = arith.addi %add3A_758, %add3A_763 : i32
          %mul3A_765 = arith.constant 800 : i32
          %mul3A_766 = arith.muli %sub3A_281, %mul3A_765 : i32
          %add3A_767 = arith.constant 200 : i32
          %add3A_768 = arith.addi %mul3A_766, %add3A_767 : i32
          %add3A_769 = arith.constant 1 : i32
          %add3A_770 = arith.addi %add3A_758, %add3A_769 : i32
          %mul3A_771 = arith.constant 800 : i32
          %mul3A_772 = arith.muli %sub3A_281, %mul3A_771 : i32
          %add3A_773 = arith.constant 400 : i32
          %add3A_774 = arith.addi %mul3A_772, %add3A_773 : i32
          %add3A_775 = arith.constant 2 : i32
          %add3A_776 = arith.addi %add3A_758, %add3A_775 : i32
          %mul3A_777 = arith.constant 800 : i32
          %mul3A_778 = arith.muli %sub3A_281, %mul3A_777 : i32
          %add3A_779 = arith.constant 600 : i32
          %add3A_780 = arith.addi %mul3A_778, %add3A_779 : i32
          %add3A_781 = arith.constant 3 : i32
          %add3A_782 = arith.addi %add3A_758, %add3A_781 : i32
          %dma_wait3A_783 = arith.constant 0 : i32
          %dma_wait3A_784 = tpu.memref_slice %arg12[%add3A_762, %dma_wait3A_783] : memref<1600x16xf32, #tpu.memory_space<vmem>> -> memref<200x16xf32, #tpu.memory_space<vmem>>
          %dma_wait3A_785 = arith.constant 0 : i32
          %dma_wait3A_786 = arith.constant 0 : i32
          %dma_wait3A_787 = tpu.memref_slice %arg5[%add3A_764, %dma_wait3A_785, %dma_wait3A_786] : memref<4096x200x16xf32, #tpu.memory_space<hbm>> -> memref<1x200x16xf32, #tpu.memory_space<hbm>>
          %dma_wait3A_788 = tpu.memref_squeeze %dma_wait3A_787 : memref<1x200x16xf32, #tpu.memory_space<hbm>> -> memref<200x16xf32, #tpu.memory_space<hbm>>
          %dma_wait3A_789 = arith.constant 0 : i32
          %dma_wait3A_790 = arith.constant 0 : i32
          %dma_wait3A_791 = tpu.memref_slice %arg5[%add3A_764, %dma_wait3A_789, %dma_wait3A_790] : memref<4096x200x16xf32, #tpu.memory_space<hbm>> -> memref<1x200x16xf32, #tpu.memory_space<hbm>>
          %dma_wait3A_792 = tpu.memref_squeeze %dma_wait3A_791 : memref<1x200x16xf32, #tpu.memory_space<hbm>> -> memref<200x16xf32, #tpu.memory_space<hbm>>
          %dma_wait3A_793 = arith.constant 0 : i32
          %dma_wait3A_794 = tpu.memref_slice %arg12[%add3A_762, %dma_wait3A_793] : memref<1600x16xf32, #tpu.memory_space<vmem>> -> memref<200x16xf32, #tpu.memory_space<vmem>>
          tpu.wait_dma2 semaphore(%arg14 : memref<!tpu.dma_semaphore, #tpu.memory_space<semaphore_mem>>) src(%dma_wait3A_794 : memref<200x16xf32, #tpu.memory_space<vmem>>) dst(%dma_wait3A_792 : memref<200x16xf32, #tpu.memory_space<hbm>>)
          %dma_wait3A_795 = arith.constant 0 : i32
          %dma_wait3A_796 = tpu.memref_slice %arg12[%add3A_768, %dma_wait3A_795] : memref<1600x16xf32, #tpu.memory_space<vmem>> -> memref<200x16xf32, #tpu.memory_space<vmem>>
          %dma_wait3A_797 = arith.constant 0 : i32
          %dma_wait3A_798 = arith.constant 0 : i32
          %dma_wait3A_799 = tpu.memref_slice %arg5[%add3A_770, %dma_wait3A_797, %dma_wait3A_798] : memref<4096x200x16xf32, #tpu.memory_space<hbm>> -> memref<1x200x16xf32, #tpu.memory_space<hbm>>
          %dma_wait3A_800 = tpu.memref_squeeze %dma_wait3A_799 : memref<1x200x16xf32, #tpu.memory_space<hbm>> -> memref<200x16xf32, #tpu.memory_space<hbm>>
          %dma_wait3A_801 = arith.constant 0 : i32
          %dma_wait3A_802 = arith.constant 0 : i32
          %dma_wait3A_803 = tpu.memref_slice %arg5[%add3A_770, %dma_wait3A_801, %dma_wait3A_802] : memref<4096x200x16xf32, #tpu.memory_space<hbm>> -> memref<1x200x16xf32, #tpu.memory_space<hbm>>
          %dma_wait3A_804 = tpu.memref_squeeze %dma_wait3A_803 : memref<1x200x16xf32, #tpu.memory_space<hbm>> -> memref<200x16xf32, #tpu.memory_space<hbm>>
          %dma_wait3A_805 = arith.constant 0 : i32
          %dma_wait3A_806 = tpu.memref_slice %arg12[%add3A_768, %dma_wait3A_805] : memref<1600x16xf32, #tpu.memory_space<vmem>> -> memref<200x16xf32, #tpu.memory_space<vmem>>
          tpu.wait_dma2 semaphore(%arg14 : memref<!tpu.dma_semaphore, #tpu.memory_space<semaphore_mem>>) src(%dma_wait3A_806 : memref<200x16xf32, #tpu.memory_space<vmem>>) dst(%dma_wait3A_804 : memref<200x16xf32, #tpu.memory_space<hbm>>)
          %dma_wait3A_807 = arith.constant 0 : i32
          %dma_wait3A_808 = tpu.memref_slice %arg12[%add3A_774, %dma_wait3A_807] : memref<1600x16xf32, #tpu.memory_space<vmem>> -> memref<200x16xf32, #tpu.memory_space<vmem>>
          %dma_wait3A_809 = arith.constant 0 : i32
          %dma_wait3A_810 = arith.constant 0 : i32
          %dma_wait3A_811 = tpu.memref_slice %arg5[%add3A_776, %dma_wait3A_809, %dma_wait3A_810] : memref<4096x200x16xf32, #tpu.memory_space<hbm>> -> memref<1x200x16xf32, #tpu.memory_space<hbm>>
          %dma_wait3A_812 = tpu.memref_squeeze %dma_wait3A_811 : memref<1x200x16xf32, #tpu.memory_space<hbm>> -> memref<200x16xf32, #tpu.memory_space<hbm>>
          %dma_wait3A_813 = arith.constant 0 : i32
          %dma_wait3A_814 = arith.constant 0 : i32
          %dma_wait3A_815 = tpu.memref_slice %arg5[%add3A_776, %dma_wait3A_813, %dma_wait3A_814] : memref<4096x200x16xf32, #tpu.memory_space<hbm>> -> memref<1x200x16xf32, #tpu.memory_space<hbm>>
          %dma_wait3A_816 = tpu.memref_squeeze %dma_wait3A_815 : memref<1x200x16xf32, #tpu.memory_space<hbm>> -> memref<200x16xf32, #tpu.memory_space<hbm>>
          %dma_wait3A_817 = arith.constant 0 : i32
          %dma_wait3A_818 = tpu.memref_slice %arg12[%add3A_774, %dma_wait3A_817] : memref<1600x16xf32, #tpu.memory_space<vmem>> -> memref<200x16xf32, #tpu.memory_space<vmem>>
          tpu.wait_dma2 semaphore(%arg14 : memref<!tpu.dma_semaphore, #tpu.memory_space<semaphore_mem>>) src(%dma_wait3A_818 : memref<200x16xf32, #tpu.memory_space<vmem>>) dst(%dma_wait3A_816 : memref<200x16xf32, #tpu.memory_space<hbm>>)
          %dma_wait3A_819 = arith.constant 0 : i32
          %dma_wait3A_820 = tpu.memref_slice %arg12[%add3A_780, %dma_wait3A_819] : memref<1600x16xf32, #tpu.memory_space<vmem>> -> memref<200x16xf32, #tpu.memory_space<vmem>>
          %dma_wait3A_821 = arith.constant 0 : i32
          %dma_wait3A_822 = arith.constant 0 : i32
          %dma_wait3A_823 = tpu.memref_slice %arg5[%add3A_782, %dma_wait3A_821, %dma_wait3A_822] : memref<4096x200x16xf32, #tpu.memory_space<hbm>> -> memref<1x200x16xf32, #tpu.memory_space<hbm>>
          %dma_wait3A_824 = tpu.memref_squeeze %dma_wait3A_823 : memref<1x200x16xf32, #tpu.memory_space<hbm>> -> memref<200x16xf32, #tpu.memory_space<hbm>>
          %dma_wait3A_825 = arith.constant 0 : i32
          %dma_wait3A_826 = arith.constant 0 : i32
          %dma_wait3A_827 = tpu.memref_slice %arg5[%add3A_782, %dma_wait3A_825, %dma_wait3A_826] : memref<4096x200x16xf32, #tpu.memory_space<hbm>> -> memref<1x200x16xf32, #tpu.memory_space<hbm>>
          %dma_wait3A_828 = tpu.memref_squeeze %dma_wait3A_827 : memref<1x200x16xf32, #tpu.memory_space<hbm>> -> memref<200x16xf32, #tpu.memory_space<hbm>>
          %dma_wait3A_829 = arith.constant 0 : i32
          %dma_wait3A_830 = tpu.memref_slice %arg12[%add3A_780, %dma_wait3A_829] : memref<1600x16xf32, #tpu.memory_space<vmem>> -> memref<200x16xf32, #tpu.memory_space<vmem>>
          tpu.wait_dma2 semaphore(%arg14 : memref<!tpu.dma_semaphore, #tpu.memory_space<semaphore_mem>>) src(%dma_wait3A_830 : memref<200x16xf32, #tpu.memory_space<vmem>>) dst(%dma_wait3A_828 : memref<200x16xf32, #tpu.memory_space<hbm>>)
        } else {
        }
        %mul3A_570 = arith.constant 1600 : i32
        %mul3A_571 = arith.muli %sub3A_281, %mul3A_570 : i32
        %add3A_572 = arith.constant 0 : i32
        %add3A_573 = arith.addi %mul3A_571, %add3A_572 : i32
        %mul3A_574 = arith.constant 1600 : i32
        %mul3A_575 = arith.muli %sub3A_281, %mul3A_574 : i32
        %add3A_576 = arith.constant 0 : i32
        %add3A_577 = arith.addi %mul3A_575, %add3A_576 : i32
        %dma_start3A_578 = arith.constant 0 : i32
        %dma_start3A_579 = tpu.memref_slice %arg11[%add3A_577, %dma_start3A_578] : memref<3200x16xf32, #tpu.memory_space<vmem>> -> memref<128x16xf32, #tpu.memory_space<vmem>>
        %dma_start3A_580 = tpu.memref_slice %arg10[%add3A_573] : memref<3200xi32, #tpu.memory_space<vmem>> -> memref<128xi32, #tpu.memory_space<vmem>>
        %dma_start3A_581 = arith.constant 0 : i32
        %dma_start3A_582 = arith.constant 0 : i32
        %dma_start3A_583 = tpu.memref_slice %arg2[%dma_start3A_581, %dma_start3A_582] : memref<875000x16xf32, #tpu.memory_space<hbm>> -> memref<875000x16xf32, #tpu.memory_space<hbm>>
        tpu.enqueue_indirect_dma source(%dma_start3A_583 : memref<875000x16xf32, #tpu.memory_space<hbm>>) target(%dma_start3A_579 : memref<128x16xf32, #tpu.memory_space<vmem>>) offsets(%dma_start3A_580 : memref<128xi32, #tpu.memory_space<vmem>>) semaphore(%arg13 : memref<!tpu.dma_semaphore, #tpu.memory_space<semaphore_mem>>)
        %mul3A_584 = arith.constant 1600 : i32
        %mul3A_585 = arith.muli %sub3A_281, %mul3A_584 : i32
        %add3A_586 = arith.constant 128 : i32
        %add3A_587 = arith.addi %mul3A_585, %add3A_586 : i32
        %mul3A_588 = arith.constant 1600 : i32
        %mul3A_589 = arith.muli %sub3A_281, %mul3A_588 : i32
        %add3A_590 = arith.constant 128 : i32
        %add3A_591 = arith.addi %mul3A_589, %add3A_590 : i32
        %dma_start3A_592 = arith.constant 0 : i32
        %dma_start3A_593 = tpu.memref_slice %arg11[%add3A_591, %dma_start3A_592] : memref<3200x16xf32, #tpu.memory_space<vmem>> -> memref<128x16xf32, #tpu.memory_space<vmem>>
        %dma_start3A_594 = tpu.memref_slice %arg10[%add3A_587] : memref<3200xi32, #tpu.memory_space<vmem>> -> memref<128xi32, #tpu.memory_space<vmem>>
        %dma_start3A_595 = arith.constant 0 : i32
        %dma_start3A_596 = arith.constant 0 : i32
        %dma_start3A_597 = tpu.memref_slice %arg2[%dma_start3A_595, %dma_start3A_596] : memref<875000x16xf32, #tpu.memory_space<hbm>> -> memref<875000x16xf32, #tpu.memory_space<hbm>>
        tpu.enqueue_indirect_dma source(%dma_start3A_597 : memref<875000x16xf32, #tpu.memory_space<hbm>>) target(%dma_start3A_593 : memref<128x16xf32, #tpu.memory_space<vmem>>) offsets(%dma_start3A_594 : memref<128xi32, #tpu.memory_space<vmem>>) semaphore(%arg13 : memref<!tpu.dma_semaphore, #tpu.memory_space<semaphore_mem>>)
        %mul3A_598 = arith.constant 1600 : i32
        %mul3A_599 = arith.muli %sub3A_281, %mul3A_598 : i32
        %add3A_600 = arith.constant 256 : i32
        %add3A_601 = arith.addi %mul3A_599, %add3A_600 : i32
        %mul3A_602 = arith.constant 1600 : i32
        %mul3A_603 = arith.muli %sub3A_281, %mul3A_602 : i32
        %add3A_604 = arith.constant 256 : i32
        %add3A_605 = arith.addi %mul3A_603, %add3A_604 : i32
        %dma_start3A_606 = arith.constant 0 : i32
        %dma_start3A_607 = tpu.memref_slice %arg11[%add3A_605, %dma_start3A_606] : memref<3200x16xf32, #tpu.memory_space<vmem>> -> memref<128x16xf32, #tpu.memory_space<vmem>>
        %dma_start3A_608 = tpu.memref_slice %arg10[%add3A_601] : memref<3200xi32, #tpu.memory_space<vmem>> -> memref<128xi32, #tpu.memory_space<vmem>>
        %dma_start3A_609 = arith.constant 0 : i32
        %dma_start3A_610 = arith.constant 0 : i32
        %dma_start3A_611 = tpu.memref_slice %arg2[%dma_start3A_609, %dma_start3A_610] : memref<875000x16xf32, #tpu.memory_space<hbm>> -> memref<875000x16xf32, #tpu.memory_space<hbm>>
        tpu.enqueue_indirect_dma source(%dma_start3A_611 : memref<875000x16xf32, #tpu.memory_space<hbm>>) target(%dma_start3A_607 : memref<128x16xf32, #tpu.memory_space<vmem>>) offsets(%dma_start3A_608 : memref<128xi32, #tpu.memory_space<vmem>>) semaphore(%arg13 : memref<!tpu.dma_semaphore, #tpu.memory_space<semaphore_mem>>)
        %mul3A_612 = arith.constant 1600 : i32
        %mul3A_613 = arith.muli %sub3A_281, %mul3A_612 : i32
        %add3A_614 = arith.constant 384 : i32
        %add3A_615 = arith.addi %mul3A_613, %add3A_614 : i32
        %mul3A_616 = arith.constant 1600 : i32
        %mul3A_617 = arith.muli %sub3A_281, %mul3A_616 : i32
        %add3A_618 = arith.constant 384 : i32
        %add3A_619 = arith.addi %mul3A_617, %add3A_618 : i32
        %dma_start3A_620 = arith.constant 0 : i32
        %dma_start3A_621 = tpu.memref_slice %arg11[%add3A_619, %dma_start3A_620] : memref<3200x16xf32, #tpu.memory_space<vmem>> -> memref<128x16xf32, #tpu.memory_space<vmem>>
        %dma_start3A_622 = tpu.memref_slice %arg10[%add3A_615] : memref<3200xi32, #tpu.memory_space<vmem>> -> memref<128xi32, #tpu.memory_space<vmem>>
        %dma_start3A_623 = arith.constant 0 : i32
        %dma_start3A_624 = arith.constant 0 : i32
        %dma_start3A_625 = tpu.memref_slice %arg2[%dma_start3A_623, %dma_start3A_624] : memref<875000x16xf32, #tpu.memory_space<hbm>> -> memref<875000x16xf32, #tpu.memory_space<hbm>>
        tpu.enqueue_indirect_dma source(%dma_start3A_625 : memref<875000x16xf32, #tpu.memory_space<hbm>>) target(%dma_start3A_621 : memref<128x16xf32, #tpu.memory_space<vmem>>) offsets(%dma_start3A_622 : memref<128xi32, #tpu.memory_space<vmem>>) semaphore(%arg13 : memref<!tpu.dma_semaphore, #tpu.memory_space<semaphore_mem>>)
        %mul3A_626 = arith.constant 1600 : i32
        %mul3A_627 = arith.muli %sub3A_281, %mul3A_626 : i32
        %add3A_628 = arith.constant 512 : i32
        %add3A_629 = arith.addi %mul3A_627, %add3A_628 : i32
        %mul3A_630 = arith.constant 1600 : i32
        %mul3A_631 = arith.muli %sub3A_281, %mul3A_630 : i32
        %add3A_632 = arith.constant 512 : i32
        %add3A_633 = arith.addi %mul3A_631, %add3A_632 : i32
        %dma_start3A_634 = arith.constant 0 : i32
        %dma_start3A_635 = tpu.memref_slice %arg11[%add3A_633, %dma_start3A_634] : memref<3200x16xf32, #tpu.memory_space<vmem>> -> memref<128x16xf32, #tpu.memory_space<vmem>>
        %dma_start3A_636 = tpu.memref_slice %arg10[%add3A_629] : memref<3200xi32, #tpu.memory_space<vmem>> -> memref<128xi32, #tpu.memory_space<vmem>>
        %dma_start3A_637 = arith.constant 0 : i32
        %dma_start3A_638 = arith.constant 0 : i32
        %dma_start3A_639 = tpu.memref_slice %arg2[%dma_start3A_637, %dma_start3A_638] : memref<875000x16xf32, #tpu.memory_space<hbm>> -> memref<875000x16xf32, #tpu.memory_space<hbm>>
        tpu.enqueue_indirect_dma source(%dma_start3A_639 : memref<875000x16xf32, #tpu.memory_space<hbm>>) target(%dma_start3A_635 : memref<128x16xf32, #tpu.memory_space<vmem>>) offsets(%dma_start3A_636 : memref<128xi32, #tpu.memory_space<vmem>>) semaphore(%arg13 : memref<!tpu.dma_semaphore, #tpu.memory_space<semaphore_mem>>)
        %mul3A_640 = arith.constant 1600 : i32
        %mul3A_641 = arith.muli %sub3A_281, %mul3A_640 : i32
        %add3A_642 = arith.constant 640 : i32
        %add3A_643 = arith.addi %mul3A_641, %add3A_642 : i32
        %mul3A_644 = arith.constant 1600 : i32
        %mul3A_645 = arith.muli %sub3A_281, %mul3A_644 : i32
        %add3A_646 = arith.constant 640 : i32
        %add3A_647 = arith.addi %mul3A_645, %add3A_646 : i32
        %dma_start3A_648 = arith.constant 0 : i32
        %dma_start3A_649 = tpu.memref_slice %arg11[%add3A_647, %dma_start3A_648] : memref<3200x16xf32, #tpu.memory_space<vmem>> -> memref<128x16xf32, #tpu.memory_space<vmem>>
        %dma_start3A_650 = tpu.memref_slice %arg10[%add3A_643] : memref<3200xi32, #tpu.memory_space<vmem>> -> memref<128xi32, #tpu.memory_space<vmem>>
        %dma_start3A_651 = arith.constant 0 : i32
        %dma_start3A_652 = arith.constant 0 : i32
        %dma_start3A_653 = tpu.memref_slice %arg2[%dma_start3A_651, %dma_start3A_652] : memref<875000x16xf32, #tpu.memory_space<hbm>> -> memref<875000x16xf32, #tpu.memory_space<hbm>>
        tpu.enqueue_indirect_dma source(%dma_start3A_653 : memref<875000x16xf32, #tpu.memory_space<hbm>>) target(%dma_start3A_649 : memref<128x16xf32, #tpu.memory_space<vmem>>) offsets(%dma_start3A_650 : memref<128xi32, #tpu.memory_space<vmem>>) semaphore(%arg13 : memref<!tpu.dma_semaphore, #tpu.memory_space<semaphore_mem>>)
        %mul3A_654 = arith.constant 1600 : i32
        %mul3A_655 = arith.muli %sub3A_281, %mul3A_654 : i32
        %add3A_656 = arith.constant 768 : i32
        %add3A_657 = arith.addi %mul3A_655, %add3A_656 : i32
        %mul3A_658 = arith.constant 1600 : i32
        %mul3A_659 = arith.muli %sub3A_281, %mul3A_658 : i32
        %add3A_660 = arith.constant 768 : i32
        %add3A_661 = arith.addi %mul3A_659, %add3A_660 : i32
        %dma_start3A_662 = arith.constant 0 : i32
        %dma_start3A_663 = tpu.memref_slice %arg11[%add3A_661, %dma_start3A_662] : memref<3200x16xf32, #tpu.memory_space<vmem>> -> memref<128x16xf32, #tpu.memory_space<vmem>>
        %dma_start3A_664 = tpu.memref_slice %arg10[%add3A_657] : memref<3200xi32, #tpu.memory_space<vmem>> -> memref<128xi32, #tpu.memory_space<vmem>>
        %dma_start3A_665 = arith.constant 0 : i32
        %dma_start3A_666 = arith.constant 0 : i32
        %dma_start3A_667 = tpu.memref_slice %arg2[%dma_start3A_665, %dma_start3A_666] : memref<875000x16xf32, #tpu.memory_space<hbm>> -> memref<875000x16xf32, #tpu.memory_space<hbm>>
        tpu.enqueue_indirect_dma source(%dma_start3A_667 : memref<875000x16xf32, #tpu.memory_space<hbm>>) target(%dma_start3A_663 : memref<128x16xf32, #tpu.memory_space<vmem>>) offsets(%dma_start3A_664 : memref<128xi32, #tpu.memory_space<vmem>>) semaphore(%arg13 : memref<!tpu.dma_semaphore, #tpu.memory_space<semaphore_mem>>)
        %mul3A_668 = arith.constant 1600 : i32
        %mul3A_669 = arith.muli %sub3A_281, %mul3A_668 : i32
        %add3A_670 = arith.constant 896 : i32
        %add3A_671 = arith.addi %mul3A_669, %add3A_670 : i32
        %mul3A_672 = arith.constant 1600 : i32
        %mul3A_673 = arith.muli %sub3A_281, %mul3A_672 : i32
        %add3A_674 = arith.constant 896 : i32
        %add3A_675 = arith.addi %mul3A_673, %add3A_674 : i32
        %dma_start3A_676 = arith.constant 0 : i32
        %dma_start3A_677 = tpu.memref_slice %arg11[%add3A_675, %dma_start3A_676] : memref<3200x16xf32, #tpu.memory_space<vmem>> -> memref<128x16xf32, #tpu.memory_space<vmem>>
        %dma_start3A_678 = tpu.memref_slice %arg10[%add3A_671] : memref<3200xi32, #tpu.memory_space<vmem>> -> memref<128xi32, #tpu.memory_space<vmem>>
        %dma_start3A_679 = arith.constant 0 : i32
        %dma_start3A_680 = arith.constant 0 : i32
        %dma_start3A_681 = tpu.memref_slice %arg2[%dma_start3A_679, %dma_start3A_680] : memref<875000x16xf32, #tpu.memory_space<hbm>> -> memref<875000x16xf32, #tpu.memory_space<hbm>>
        tpu.enqueue_indirect_dma source(%dma_start3A_681 : memref<875000x16xf32, #tpu.memory_space<hbm>>) target(%dma_start3A_677 : memref<128x16xf32, #tpu.memory_space<vmem>>) offsets(%dma_start3A_678 : memref<128xi32, #tpu.memory_space<vmem>>) semaphore(%arg13 : memref<!tpu.dma_semaphore, #tpu.memory_space<semaphore_mem>>)
        %mul3A_682 = arith.constant 1600 : i32
        %mul3A_683 = arith.muli %sub3A_281, %mul3A_682 : i32
        %add3A_684 = arith.constant 1024 : i32
        %add3A_685 = arith.addi %mul3A_683, %add3A_684 : i32
        %mul3A_686 = arith.constant 1600 : i32
        %mul3A_687 = arith.muli %sub3A_281, %mul3A_686 : i32
        %add3A_688 = arith.constant 1024 : i32
        %add3A_689 = arith.addi %mul3A_687, %add3A_688 : i32
        %dma_start3A_690 = arith.constant 0 : i32
        %dma_start3A_691 = tpu.memref_slice %arg11[%add3A_689, %dma_start3A_690] : memref<3200x16xf32, #tpu.memory_space<vmem>> -> memref<128x16xf32, #tpu.memory_space<vmem>>
        %dma_start3A_692 = tpu.memref_slice %arg10[%add3A_685] : memref<3200xi32, #tpu.memory_space<vmem>> -> memref<128xi32, #tpu.memory_space<vmem>>
        %dma_start3A_693 = arith.constant 0 : i32
        %dma_start3A_694 = arith.constant 0 : i32
        %dma_start3A_695 = tpu.memref_slice %arg2[%dma_start3A_693, %dma_start3A_694] : memref<875000x16xf32, #tpu.memory_space<hbm>> -> memref<875000x16xf32, #tpu.memory_space<hbm>>
        tpu.enqueue_indirect_dma source(%dma_start3A_695 : memref<875000x16xf32, #tpu.memory_space<hbm>>) target(%dma_start3A_691 : memref<128x16xf32, #tpu.memory_space<vmem>>) offsets(%dma_start3A_692 : memref<128xi32, #tpu.memory_space<vmem>>) semaphore(%arg13 : memref<!tpu.dma_semaphore, #tpu.memory_space<semaphore_mem>>)
        %mul3A_696 = arith.constant 1600 : i32
        %mul3A_697 = arith.muli %sub3A_281, %mul3A_696 : i32
        %add3A_698 = arith.constant 1152 : i32
        %add3A_699 = arith.addi %mul3A_697, %add3A_698 : i32
        %mul3A_700 = arith.constant 1600 : i32
        %mul3A_701 = arith.muli %sub3A_281, %mul3A_700 : i32
        %add3A_702 = arith.constant 1152 : i32
        %add3A_703 = arith.addi %mul3A_701, %add3A_702 : i32
        %dma_start3A_704 = arith.constant 0 : i32
        %dma_start3A_705 = tpu.memref_slice %arg11[%add3A_703, %dma_start3A_704] : memref<3200x16xf32, #tpu.memory_space<vmem>> -> memref<128x16xf32, #tpu.memory_space<vmem>>
        %dma_start3A_706 = tpu.memref_slice %arg10[%add3A_699] : memref<3200xi32, #tpu.memory_space<vmem>> -> memref<128xi32, #tpu.memory_space<vmem>>
        %dma_start3A_707 = arith.constant 0 : i32
        %dma_start3A_708 = arith.constant 0 : i32
        %dma_start3A_709 = tpu.memref_slice %arg2[%dma_start3A_707, %dma_start3A_708] : memref<875000x16xf32, #tpu.memory_space<hbm>> -> memref<875000x16xf32, #tpu.memory_space<hbm>>
        tpu.enqueue_indirect_dma source(%dma_start3A_709 : memref<875000x16xf32, #tpu.memory_space<hbm>>) target(%dma_start3A_705 : memref<128x16xf32, #tpu.memory_space<vmem>>) offsets(%dma_start3A_706 : memref<128xi32, #tpu.memory_space<vmem>>) semaphore(%arg13 : memref<!tpu.dma_semaphore, #tpu.memory_space<semaphore_mem>>)
        %mul3A_710 = arith.constant 1600 : i32
        %mul3A_711 = arith.muli %sub3A_281, %mul3A_710 : i32
        %add3A_712 = arith.constant 1280 : i32
        %add3A_713 = arith.addi %mul3A_711, %add3A_712 : i32
        %mul3A_714 = arith.constant 1600 : i32
        %mul3A_715 = arith.muli %sub3A_281, %mul3A_714 : i32
        %add3A_716 = arith.constant 1280 : i32
        %add3A_717 = arith.addi %mul3A_715, %add3A_716 : i32
        %dma_start3A_718 = arith.constant 0 : i32
        %dma_start3A_719 = tpu.memref_slice %arg11[%add3A_717, %dma_start3A_718] : memref<3200x16xf32, #tpu.memory_space<vmem>> -> memref<128x16xf32, #tpu.memory_space<vmem>>
        %dma_start3A_720 = tpu.memref_slice %arg10[%add3A_713] : memref<3200xi32, #tpu.memory_space<vmem>> -> memref<128xi32, #tpu.memory_space<vmem>>
        %dma_start3A_721 = arith.constant 0 : i32
        %dma_start3A_722 = arith.constant 0 : i32
        %dma_start3A_723 = tpu.memref_slice %arg2[%dma_start3A_721, %dma_start3A_722] : memref<875000x16xf32, #tpu.memory_space<hbm>> -> memref<875000x16xf32, #tpu.memory_space<hbm>>
        tpu.enqueue_indirect_dma source(%dma_start3A_723 : memref<875000x16xf32, #tpu.memory_space<hbm>>) target(%dma_start3A_719 : memref<128x16xf32, #tpu.memory_space<vmem>>) offsets(%dma_start3A_720 : memref<128xi32, #tpu.memory_space<vmem>>) semaphore(%arg13 : memref<!tpu.dma_semaphore, #tpu.memory_space<semaphore_mem>>)
        %mul3A_724 = arith.constant 1600 : i32
        %mul3A_725 = arith.muli %sub3A_281, %mul3A_724 : i32
        %add3A_726 = arith.constant 1408 : i32
        %add3A_727 = arith.addi %mul3A_725, %add3A_726 : i32
        %mul3A_728 = arith.constant 1600 : i32
        %mul3A_729 = arith.muli %sub3A_281, %mul3A_728 : i32
        %add3A_730 = arith.constant 1408 : i32
        %add3A_731 = arith.addi %mul3A_729, %add3A_730 : i32
        %dma_start3A_732 = arith.constant 0 : i32
        %dma_start3A_733 = tpu.memref_slice %arg11[%add3A_731, %dma_start3A_732] : memref<3200x16xf32, #tpu.memory_space<vmem>> -> memref<128x16xf32, #tpu.memory_space<vmem>>
        %dma_start3A_734 = tpu.memref_slice %arg10[%add3A_727] : memref<3200xi32, #tpu.memory_space<vmem>> -> memref<128xi32, #tpu.memory_space<vmem>>
        %dma_start3A_735 = arith.constant 0 : i32
        %dma_start3A_736 = arith.constant 0 : i32
        %dma_start3A_737 = tpu.memref_slice %arg2[%dma_start3A_735, %dma_start3A_736] : memref<875000x16xf32, #tpu.memory_space<hbm>> -> memref<875000x16xf32, #tpu.memory_space<hbm>>
        tpu.enqueue_indirect_dma source(%dma_start3A_737 : memref<875000x16xf32, #tpu.memory_space<hbm>>) target(%dma_start3A_733 : memref<128x16xf32, #tpu.memory_space<vmem>>) offsets(%dma_start3A_734 : memref<128xi32, #tpu.memory_space<vmem>>) semaphore(%arg13 : memref<!tpu.dma_semaphore, #tpu.memory_space<semaphore_mem>>)
        %mul3A_738 = arith.constant 1600 : i32
        %mul3A_739 = arith.muli %sub3A_281, %mul3A_738 : i32
        %add3A_740 = arith.constant 1536 : i32
        %add3A_741 = arith.addi %mul3A_739, %add3A_740 : i32
        %mul3A_742 = arith.constant 1600 : i32
        %mul3A_743 = arith.muli %sub3A_281, %mul3A_742 : i32
        %add3A_744 = arith.constant 1536 : i32
        %add3A_745 = arith.addi %mul3A_743, %add3A_744 : i32
        %dma_start3A_746 = arith.constant 0 : i32
        %dma_start3A_747 = tpu.memref_slice %arg11[%add3A_745, %dma_start3A_746] : memref<3200x16xf32, #tpu.memory_space<vmem>> -> memref<64x16xf32, #tpu.memory_space<vmem>>
        %dma_start3A_748 = tpu.memref_slice %arg10[%add3A_741] : memref<3200xi32, #tpu.memory_space<vmem>> -> memref<64xi32, #tpu.memory_space<vmem>>
        %dma_start3A_749 = arith.constant 0 : i32
        %dma_start3A_750 = arith.constant 0 : i32
        %dma_start3A_751 = tpu.memref_slice %arg2[%dma_start3A_749, %dma_start3A_750] : memref<875000x16xf32, #tpu.memory_space<hbm>> -> memref<875000x16xf32, #tpu.memory_space<hbm>>
        tpu.enqueue_indirect_dma source(%dma_start3A_751 : memref<875000x16xf32, #tpu.memory_space<hbm>>) target(%dma_start3A_747 : memref<64x16xf32, #tpu.memory_space<vmem>>) offsets(%dma_start3A_748 : memref<64xi32, #tpu.memory_space<vmem>>) semaphore(%arg13 : memref<!tpu.dma_semaphore, #tpu.memory_space<semaphore_mem>>)
      } else {
      }
      %mul3A_287 = arith.constant 1600 : i32
      %mul3A_288 = arith.muli %rem3A_280, %mul3A_287 : i32
      %add3A_289 = arith.constant 0 : i32
      %add3A_290 = arith.addi %mul3A_288, %add3A_289 : i32
      %mul3A_291 = arith.constant 1600 : i32
      %mul3A_292 = arith.muli %rem3A_280, %mul3A_291 : i32
      %add3A_293 = arith.constant 0 : i32
      %add3A_294 = arith.addi %mul3A_292, %add3A_293 : i32
      %dma_wait3A_295 = arith.constant 0 : i32
      %dma_wait3A_296 = tpu.memref_slice %arg11[%add3A_294, %dma_wait3A_295] : memref<3200x16xf32, #tpu.memory_space<vmem>> -> memref<128x16xf32, #tpu.memory_space<vmem>>
      %dma_wait3A_297 = tpu.memref_slice %arg10[%add3A_290] : memref<3200xi32, #tpu.memory_space<vmem>> -> memref<128xi32, #tpu.memory_space<vmem>>
      %dma_wait3A_298 = arith.constant 0 : i32
      %dma_wait3A_299 = arith.constant 0 : i32
      %dma_wait3A_300 = tpu.memref_slice %arg2[%dma_wait3A_298, %dma_wait3A_299] : memref<875000x16xf32, #tpu.memory_space<hbm>> -> memref<875000x16xf32, #tpu.memory_space<hbm>>
      tpu.wait_indirect_dma semaphore(%arg13 : memref<!tpu.dma_semaphore, #tpu.memory_space<semaphore_mem>>) src(%dma_wait3A_300 : memref<875000x16xf32, #tpu.memory_space<hbm>>) dst(%dma_wait3A_296 : memref<128x16xf32, #tpu.memory_space<vmem>>)
      %mul3A_301 = arith.constant 1600 : i32
      %mul3A_302 = arith.muli %rem3A_280, %mul3A_301 : i32
      %add3A_303 = arith.constant 128 : i32
      %add3A_304 = arith.addi %mul3A_302, %add3A_303 : i32
      %mul3A_305 = arith.constant 1600 : i32
      %mul3A_306 = arith.muli %rem3A_280, %mul3A_305 : i32
      %add3A_307 = arith.constant 128 : i32
      %add3A_308 = arith.addi %mul3A_306, %add3A_307 : i32
      %dma_wait3A_309 = arith.constant 0 : i32
      %dma_wait3A_310 = tpu.memref_slice %arg11[%add3A_308, %dma_wait3A_309] : memref<3200x16xf32, #tpu.memory_space<vmem>> -> memref<128x16xf32, #tpu.memory_space<vmem>>
      %dma_wait3A_311 = tpu.memref_slice %arg10[%add3A_304] : memref<3200xi32, #tpu.memory_space<vmem>> -> memref<128xi32, #tpu.memory_space<vmem>>
      %dma_wait3A_312 = arith.constant 0 : i32
      %dma_wait3A_313 = arith.constant 0 : i32
      %dma_wait3A_314 = tpu.memref_slice %arg2[%dma_wait3A_312, %dma_wait3A_313] : memref<875000x16xf32, #tpu.memory_space<hbm>> -> memref<875000x16xf32, #tpu.memory_space<hbm>>
      tpu.wait_indirect_dma semaphore(%arg13 : memref<!tpu.dma_semaphore, #tpu.memory_space<semaphore_mem>>) src(%dma_wait3A_314 : memref<875000x16xf32, #tpu.memory_space<hbm>>) dst(%dma_wait3A_310 : memref<128x16xf32, #tpu.memory_space<vmem>>)
      %mul3A_315 = arith.constant 1600 : i32
      %mul3A_316 = arith.muli %rem3A_280, %mul3A_315 : i32
      %add3A_317 = arith.constant 256 : i32
      %add3A_318 = arith.addi %mul3A_316, %add3A_317 : i32
      %mul3A_319 = arith.constant 1600 : i32
      %mul3A_320 = arith.muli %rem3A_280, %mul3A_319 : i32
      %add3A_321 = arith.constant 256 : i32
      %add3A_322 = arith.addi %mul3A_320, %add3A_321 : i32
      %dma_wait3A_323 = arith.constant 0 : i32
      %dma_wait3A_324 = tpu.memref_slice %arg11[%add3A_322, %dma_wait3A_323] : memref<3200x16xf32, #tpu.memory_space<vmem>> -> memref<128x16xf32, #tpu.memory_space<vmem>>
      %dma_wait3A_325 = tpu.memref_slice %arg10[%add3A_318] : memref<3200xi32, #tpu.memory_space<vmem>> -> memref<128xi32, #tpu.memory_space<vmem>>
      %dma_wait3A_326 = arith.constant 0 : i32
      %dma_wait3A_327 = arith.constant 0 : i32
      %dma_wait3A_328 = tpu.memref_slice %arg2[%dma_wait3A_326, %dma_wait3A_327] : memref<875000x16xf32, #tpu.memory_space<hbm>> -> memref<875000x16xf32, #tpu.memory_space<hbm>>
      tpu.wait_indirect_dma semaphore(%arg13 : memref<!tpu.dma_semaphore, #tpu.memory_space<semaphore_mem>>) src(%dma_wait3A_328 : memref<875000x16xf32, #tpu.memory_space<hbm>>) dst(%dma_wait3A_324 : memref<128x16xf32, #tpu.memory_space<vmem>>)
      %mul3A_329 = arith.constant 1600 : i32
      %mul3A_330 = arith.muli %rem3A_280, %mul3A_329 : i32
      %add3A_331 = arith.constant 384 : i32
      %add3A_332 = arith.addi %mul3A_330, %add3A_331 : i32
      %mul3A_333 = arith.constant 1600 : i32
      %mul3A_334 = arith.muli %rem3A_280, %mul3A_333 : i32
      %add3A_335 = arith.constant 384 : i32
      %add3A_336 = arith.addi %mul3A_334, %add3A_335 : i32
      %dma_wait3A_337 = arith.constant 0 : i32
      %dma_wait3A_338 = tpu.memref_slice %arg11[%add3A_336, %dma_wait3A_337] : memref<3200x16xf32, #tpu.memory_space<vmem>> -> memref<128x16xf32, #tpu.memory_space<vmem>>
      %dma_wait3A_339 = tpu.memref_slice %arg10[%add3A_332] : memref<3200xi32, #tpu.memory_space<vmem>> -> memref<128xi32, #tpu.memory_space<vmem>>
      %dma_wait3A_340 = arith.constant 0 : i32
      %dma_wait3A_341 = arith.constant 0 : i32
      %dma_wait3A_342 = tpu.memref_slice %arg2[%dma_wait3A_340, %dma_wait3A_341] : memref<875000x16xf32, #tpu.memory_space<hbm>> -> memref<875000x16xf32, #tpu.memory_space<hbm>>
      tpu.wait_indirect_dma semaphore(%arg13 : memref<!tpu.dma_semaphore, #tpu.memory_space<semaphore_mem>>) src(%dma_wait3A_342 : memref<875000x16xf32, #tpu.memory_space<hbm>>) dst(%dma_wait3A_338 : memref<128x16xf32, #tpu.memory_space<vmem>>)
      %mul3A_343 = arith.constant 1600 : i32
      %mul3A_344 = arith.muli %rem3A_280, %mul3A_343 : i32
      %add3A_345 = arith.constant 512 : i32
      %add3A_346 = arith.addi %mul3A_344, %add3A_345 : i32
      %mul3A_347 = arith.constant 1600 : i32
      %mul3A_348 = arith.muli %rem3A_280, %mul3A_347 : i32
      %add3A_349 = arith.constant 512 : i32
      %add3A_350 = arith.addi %mul3A_348, %add3A_349 : i32
      %dma_wait3A_351 = arith.constant 0 : i32
      %dma_wait3A_352 = tpu.memref_slice %arg11[%add3A_350, %dma_wait3A_351] : memref<3200x16xf32, #tpu.memory_space<vmem>> -> memref<128x16xf32, #tpu.memory_space<vmem>>
      %dma_wait3A_353 = tpu.memref_slice %arg10[%add3A_346] : memref<3200xi32, #tpu.memory_space<vmem>> -> memref<128xi32, #tpu.memory_space<vmem>>
      %dma_wait3A_354 = arith.constant 0 : i32
      %dma_wait3A_355 = arith.constant 0 : i32
      %dma_wait3A_356 = tpu.memref_slice %arg2[%dma_wait3A_354, %dma_wait3A_355] : memref<875000x16xf32, #tpu.memory_space<hbm>> -> memref<875000x16xf32, #tpu.memory_space<hbm>>
      tpu.wait_indirect_dma semaphore(%arg13 : memref<!tpu.dma_semaphore, #tpu.memory_space<semaphore_mem>>) src(%dma_wait3A_356 : memref<875000x16xf32, #tpu.memory_space<hbm>>) dst(%dma_wait3A_352 : memref<128x16xf32, #tpu.memory_space<vmem>>)
      %mul3A_357 = arith.constant 1600 : i32
      %mul3A_358 = arith.muli %rem3A_280, %mul3A_357 : i32
      %add3A_359 = arith.constant 640 : i32
      %add3A_360 = arith.addi %mul3A_358, %add3A_359 : i32
      %mul3A_361 = arith.constant 1600 : i32
      %mul3A_362 = arith.muli %rem3A_280, %mul3A_361 : i32
      %add3A_363 = arith.constant 640 : i32
      %add3A_364 = arith.addi %mul3A_362, %add3A_363 : i32
      %dma_wait3A_365 = arith.constant 0 : i32
      %dma_wait3A_366 = tpu.memref_slice %arg11[%add3A_364, %dma_wait3A_365] : memref<3200x16xf32, #tpu.memory_space<vmem>> -> memref<128x16xf32, #tpu.memory_space<vmem>>
      %dma_wait3A_367 = tpu.memref_slice %arg10[%add3A_360] : memref<3200xi32, #tpu.memory_space<vmem>> -> memref<128xi32, #tpu.memory_space<vmem>>
      %dma_wait3A_368 = arith.constant 0 : i32
      %dma_wait3A_369 = arith.constant 0 : i32
      %dma_wait3A_370 = tpu.memref_slice %arg2[%dma_wait3A_368, %dma_wait3A_369] : memref<875000x16xf32, #tpu.memory_space<hbm>> -> memref<875000x16xf32, #tpu.memory_space<hbm>>
      tpu.wait_indirect_dma semaphore(%arg13 : memref<!tpu.dma_semaphore, #tpu.memory_space<semaphore_mem>>) src(%dma_wait3A_370 : memref<875000x16xf32, #tpu.memory_space<hbm>>) dst(%dma_wait3A_366 : memref<128x16xf32, #tpu.memory_space<vmem>>)
      %mul3A_371 = arith.constant 1600 : i32
      %mul3A_372 = arith.muli %rem3A_280, %mul3A_371 : i32
      %add3A_373 = arith.constant 768 : i32
      %add3A_374 = arith.addi %mul3A_372, %add3A_373 : i32
      %mul3A_375 = arith.constant 1600 : i32
      %mul3A_376 = arith.muli %rem3A_280, %mul3A_375 : i32
      %add3A_377 = arith.constant 768 : i32
      %add3A_378 = arith.addi %mul3A_376, %add3A_377 : i32
      %dma_wait3A_379 = arith.constant 0 : i32
      %dma_wait3A_380 = tpu.memref_slice %arg11[%add3A_378, %dma_wait3A_379] : memref<3200x16xf32, #tpu.memory_space<vmem>> -> memref<128x16xf32, #tpu.memory_space<vmem>>
      %dma_wait3A_381 = tpu.memref_slice %arg10[%add3A_374] : memref<3200xi32, #tpu.memory_space<vmem>> -> memref<128xi32, #tpu.memory_space<vmem>>
      %dma_wait3A_382 = arith.constant 0 : i32
      %dma_wait3A_383 = arith.constant 0 : i32
      %dma_wait3A_384 = tpu.memref_slice %arg2[%dma_wait3A_382, %dma_wait3A_383] : memref<875000x16xf32, #tpu.memory_space<hbm>> -> memref<875000x16xf32, #tpu.memory_space<hbm>>
      tpu.wait_indirect_dma semaphore(%arg13 : memref<!tpu.dma_semaphore, #tpu.memory_space<semaphore_mem>>) src(%dma_wait3A_384 : memref<875000x16xf32, #tpu.memory_space<hbm>>) dst(%dma_wait3A_380 : memref<128x16xf32, #tpu.memory_space<vmem>>)
      %mul3A_385 = arith.constant 1600 : i32
      %mul3A_386 = arith.muli %rem3A_280, %mul3A_385 : i32
      %add3A_387 = arith.constant 896 : i32
      %add3A_388 = arith.addi %mul3A_386, %add3A_387 : i32
      %mul3A_389 = arith.constant 1600 : i32
      %mul3A_390 = arith.muli %rem3A_280, %mul3A_389 : i32
      %add3A_391 = arith.constant 896 : i32
      %add3A_392 = arith.addi %mul3A_390, %add3A_391 : i32
      %dma_wait3A_393 = arith.constant 0 : i32
      %dma_wait3A_394 = tpu.memref_slice %arg11[%add3A_392, %dma_wait3A_393] : memref<3200x16xf32, #tpu.memory_space<vmem>> -> memref<128x16xf32, #tpu.memory_space<vmem>>
      %dma_wait3A_395 = tpu.memref_slice %arg10[%add3A_388] : memref<3200xi32, #tpu.memory_space<vmem>> -> memref<128xi32, #tpu.memory_space<vmem>>
      %dma_wait3A_396 = arith.constant 0 : i32
      %dma_wait3A_397 = arith.constant 0 : i32
      %dma_wait3A_398 = tpu.memref_slice %arg2[%dma_wait3A_396, %dma_wait3A_397] : memref<875000x16xf32, #tpu.memory_space<hbm>> -> memref<875000x16xf32, #tpu.memory_space<hbm>>
      tpu.wait_indirect_dma semaphore(%arg13 : memref<!tpu.dma_semaphore, #tpu.memory_space<semaphore_mem>>) src(%dma_wait3A_398 : memref<875000x16xf32, #tpu.memory_space<hbm>>) dst(%dma_wait3A_394 : memref<128x16xf32, #tpu.memory_space<vmem>>)
      %mul3A_399 = arith.constant 1600 : i32
      %mul3A_400 = arith.muli %rem3A_280, %mul3A_399 : i32
      %add3A_401 = arith.constant 1024 : i32
      %add3A_402 = arith.addi %mul3A_400, %add3A_401 : i32
      %mul3A_403 = arith.constant 1600 : i32
      %mul3A_404 = arith.muli %rem3A_280, %mul3A_403 : i32
      %add3A_405 = arith.constant 1024 : i32
      %add3A_406 = arith.addi %mul3A_404, %add3A_405 : i32
      %dma_wait3A_407 = arith.constant 0 : i32
      %dma_wait3A_408 = tpu.memref_slice %arg11[%add3A_406, %dma_wait3A_407] : memref<3200x16xf32, #tpu.memory_space<vmem>> -> memref<128x16xf32, #tpu.memory_space<vmem>>
      %dma_wait3A_409 = tpu.memref_slice %arg10[%add3A_402] : memref<3200xi32, #tpu.memory_space<vmem>> -> memref<128xi32, #tpu.memory_space<vmem>>
      %dma_wait3A_410 = arith.constant 0 : i32
      %dma_wait3A_411 = arith.constant 0 : i32
      %dma_wait3A_412 = tpu.memref_slice %arg2[%dma_wait3A_410, %dma_wait3A_411] : memref<875000x16xf32, #tpu.memory_space<hbm>> -> memref<875000x16xf32, #tpu.memory_space<hbm>>
      tpu.wait_indirect_dma semaphore(%arg13 : memref<!tpu.dma_semaphore, #tpu.memory_space<semaphore_mem>>) src(%dma_wait3A_412 : memref<875000x16xf32, #tpu.memory_space<hbm>>) dst(%dma_wait3A_408 : memref<128x16xf32, #tpu.memory_space<vmem>>)
      %mul3A_413 = arith.constant 1600 : i32
      %mul3A_414 = arith.muli %rem3A_280, %mul3A_413 : i32
      %add3A_415 = arith.constant 1152 : i32
      %add3A_416 = arith.addi %mul3A_414, %add3A_415 : i32
      %mul3A_417 = arith.constant 1600 : i32
      %mul3A_418 = arith.muli %rem3A_280, %mul3A_417 : i32
      %add3A_419 = arith.constant 1152 : i32
      %add3A_420 = arith.addi %mul3A_418, %add3A_419 : i32
      %dma_wait3A_421 = arith.constant 0 : i32
      %dma_wait3A_422 = tpu.memref_slice %arg11[%add3A_420, %dma_wait3A_421] : memref<3200x16xf32, #tpu.memory_space<vmem>> -> memref<128x16xf32, #tpu.memory_space<vmem>>
      %dma_wait3A_423 = tpu.memref_slice %arg10[%add3A_416] : memref<3200xi32, #tpu.memory_space<vmem>> -> memref<128xi32, #tpu.memory_space<vmem>>
      %dma_wait3A_424 = arith.constant 0 : i32
      %dma_wait3A_425 = arith.constant 0 : i32
      %dma_wait3A_426 = tpu.memref_slice %arg2[%dma_wait3A_424, %dma_wait3A_425] : memref<875000x16xf32, #tpu.memory_space<hbm>> -> memref<875000x16xf32, #tpu.memory_space<hbm>>
      tpu.wait_indirect_dma semaphore(%arg13 : memref<!tpu.dma_semaphore, #tpu.memory_space<semaphore_mem>>) src(%dma_wait3A_426 : memref<875000x16xf32, #tpu.memory_space<hbm>>) dst(%dma_wait3A_422 : memref<128x16xf32, #tpu.memory_space<vmem>>)
      %mul3A_427 = arith.constant 1600 : i32
      %mul3A_428 = arith.muli %rem3A_280, %mul3A_427 : i32
      %add3A_429 = arith.constant 1280 : i32
      %add3A_430 = arith.addi %mul3A_428, %add3A_429 : i32
      %mul3A_431 = arith.constant 1600 : i32
      %mul3A_432 = arith.muli %rem3A_280, %mul3A_431 : i32
      %add3A_433 = arith.constant 1280 : i32
      %add3A_434 = arith.addi %mul3A_432, %add3A_433 : i32
      %dma_wait3A_435 = arith.constant 0 : i32
      %dma_wait3A_436 = tpu.memref_slice %arg11[%add3A_434, %dma_wait3A_435] : memref<3200x16xf32, #tpu.memory_space<vmem>> -> memref<128x16xf32, #tpu.memory_space<vmem>>
      %dma_wait3A_437 = tpu.memref_slice %arg10[%add3A_430] : memref<3200xi32, #tpu.memory_space<vmem>> -> memref<128xi32, #tpu.memory_space<vmem>>
      %dma_wait3A_438 = arith.constant 0 : i32
      %dma_wait3A_439 = arith.constant 0 : i32
      %dma_wait3A_440 = tpu.memref_slice %arg2[%dma_wait3A_438, %dma_wait3A_439] : memref<875000x16xf32, #tpu.memory_space<hbm>> -> memref<875000x16xf32, #tpu.memory_space<hbm>>
      tpu.wait_indirect_dma semaphore(%arg13 : memref<!tpu.dma_semaphore, #tpu.memory_space<semaphore_mem>>) src(%dma_wait3A_440 : memref<875000x16xf32, #tpu.memory_space<hbm>>) dst(%dma_wait3A_436 : memref<128x16xf32, #tpu.memory_space<vmem>>)
      %mul3A_441 = arith.constant 1600 : i32
      %mul3A_442 = arith.muli %rem3A_280, %mul3A_441 : i32
      %add3A_443 = arith.constant 1408 : i32
      %add3A_444 = arith.addi %mul3A_442, %add3A_443 : i32
      %mul3A_445 = arith.constant 1600 : i32
      %mul3A_446 = arith.muli %rem3A_280, %mul3A_445 : i32
      %add3A_447 = arith.constant 1408 : i32
      %add3A_448 = arith.addi %mul3A_446, %add3A_447 : i32
      %dma_wait3A_449 = arith.constant 0 : i32
      %dma_wait3A_450 = tpu.memref_slice %arg11[%add3A_448, %dma_wait3A_449] : memref<3200x16xf32, #tpu.memory_space<vmem>> -> memref<128x16xf32, #tpu.memory_space<vmem>>
      %dma_wait3A_451 = tpu.memref_slice %arg10[%add3A_444] : memref<3200xi32, #tpu.memory_space<vmem>> -> memref<128xi32, #tpu.memory_space<vmem>>
      %dma_wait3A_452 = arith.constant 0 : i32
      %dma_wait3A_453 = arith.constant 0 : i32
      %dma_wait3A_454 = tpu.memref_slice %arg2[%dma_wait3A_452, %dma_wait3A_453] : memref<875000x16xf32, #tpu.memory_space<hbm>> -> memref<875000x16xf32, #tpu.memory_space<hbm>>
      tpu.wait_indirect_dma semaphore(%arg13 : memref<!tpu.dma_semaphore, #tpu.memory_space<semaphore_mem>>) src(%dma_wait3A_454 : memref<875000x16xf32, #tpu.memory_space<hbm>>) dst(%dma_wait3A_450 : memref<128x16xf32, #tpu.memory_space<vmem>>)
      %mul3A_455 = arith.constant 1600 : i32
      %mul3A_456 = arith.muli %rem3A_280, %mul3A_455 : i32
      %add3A_457 = arith.constant 1536 : i32
      %add3A_458 = arith.addi %mul3A_456, %add3A_457 : i32
      %mul3A_459 = arith.constant 1600 : i32
      %mul3A_460 = arith.muli %rem3A_280, %mul3A_459 : i32
      %add3A_461 = arith.constant 1536 : i32
      %add3A_462 = arith.addi %mul3A_460, %add3A_461 : i32
      %dma_wait3A_463 = arith.constant 0 : i32
      %dma_wait3A_464 = tpu.memref_slice %arg11[%add3A_462, %dma_wait3A_463] : memref<3200x16xf32, #tpu.memory_space<vmem>> -> memref<64x16xf32, #tpu.memory_space<vmem>>
      %dma_wait3A_465 = tpu.memref_slice %arg10[%add3A_458] : memref<3200xi32, #tpu.memory_space<vmem>> -> memref<64xi32, #tpu.memory_space<vmem>>
      %dma_wait3A_466 = arith.constant 0 : i32
      %dma_wait3A_467 = arith.constant 0 : i32
      %dma_wait3A_468 = tpu.memref_slice %arg2[%dma_wait3A_466, %dma_wait3A_467] : memref<875000x16xf32, #tpu.memory_space<hbm>> -> memref<875000x16xf32, #tpu.memory_space<hbm>>
      tpu.wait_indirect_dma semaphore(%arg13 : memref<!tpu.dma_semaphore, #tpu.memory_space<semaphore_mem>>) src(%dma_wait3A_468 : memref<875000x16xf32, #tpu.memory_space<hbm>>) dst(%dma_wait3A_464 : memref<64x16xf32, #tpu.memory_space<vmem>>)
      %parallel_loop3A_469 = arith.constant 0 : i32
      %parallel_loop3A_470 = arith.constant 800 : i32
      %parallel_loop3A_471 = arith.constant 1 : i32
      scf.for %parallel_loop3A_549 = %parallel_loop3A_469 to %parallel_loop3A_470 step %parallel_loop3A_471  : i32 {
        %parallel_loop3A_550 = vector.broadcast %parallel_loop3A_549 : i32 to vector<16xi32>
        %parallel_loop3A_551 = arith.constant 800 : i32
        %parallel_loop3A_552 = arith.muli %rem3A_280, %parallel_loop3A_551 : i32
        %parallel_loop3A_553 = vector.broadcast %parallel_loop3A_552 : i32 to vector<16xi32>
        %parallel_loop3A_554 = arith.addi %parallel_loop3A_553, %parallel_loop3A_550 : vector<16xi32>
        %parallel_loop3A_555 = tpu.vector_load_idx %arg8[%parallel_loop3A_554] : memref<1600xi32, #tpu.memory_space<vmem>>[vector<16xi32>], vector<16xi32>,
        %parallel_loop3A_556 = arith.constant 800 : i32
        %parallel_loop3A_557 = arith.muli %rem3A_280, %parallel_loop3A_556 : i32
        %parallel_loop3A_558 = vector.broadcast %parallel_loop3A_557 : i32 to vector<16xi32>
        %parallel_loop3A_559 = arith.addi %parallel_loop3A_558, %parallel_loop3A_550 : vector<16xi32>
        %parallel_loop3A_560 = tpu.vector_load_idx %arg9[%parallel_loop3A_559] : memref<1600xf32, #tpu.memory_space<vmem>>[vector<16xi32>], vector<16xf32>,
        %parallel_loop3A_561 = arith.addi %parallel_loop3A_555, %min3A_2 : vector<16xi32>
        %parallel_loop3A_562 = arith.constant 1600 : i32
        %parallel_loop3A_563 = arith.muli %rem3A_280, %parallel_loop3A_562 : i32
        %parallel_loop3A_564 = arith.constant 2 : i32
        %parallel_loop3A_565 = vector.broadcast %parallel_loop3A_564 : i32 to vector<16xi32>
        %parallel_loop3A_566 = arith.muli %parallel_loop3A_565, %parallel_loop3A_550 : vector<16xi32>
        %parallel_loop3A_567 = vector.broadcast %parallel_loop3A_563 : i32 to vector<16xi32>
        %parallel_loop3A_568 = arith.addi %parallel_loop3A_567, %parallel_loop3A_566 : vector<16xi32>
        %parallel_loop3A_569 = arith.constant 4 : i32
        %parallel_loop3A_570 = vector.broadcast %parallel_loop3A_569 : i32 to vector<16xi32>
        %parallel_loop3A_571 = arith.shrsi %parallel_loop3A_561, %parallel_loop3A_570 : vector<16xi32>
        %parallel_loop3A_572 = arith.addi %parallel_loop3A_568, %parallel_loop3A_571 : vector<16xi32>
        %parallel_loop3A_573 = arith.constant 15 : i32
        %parallel_loop3A_574 = vector.broadcast %parallel_loop3A_573 : i32 to vector<16xi32>
        %parallel_loop3A_575 = arith.andi %parallel_loop3A_561, %parallel_loop3A_574 : vector<16xi32>
        %parallel_loop3A_576 = tpu.vector_load_idx %arg11[%parallel_loop3A_572, %parallel_loop3A_575] : memref<3200x16xf32, #tpu.memory_space<vmem>>[vector<16xi32>, vector<16xi32>], vector<16xf32>,
        %parallel_loop3A_577 = arith.constant 800 : i32
        %parallel_loop3A_578 = arith.muli %rem3A_280, %parallel_loop3A_577 : i32
        %parallel_loop3A_579 = vector.broadcast %parallel_loop3A_578 : i32 to vector<16xi32>
        %parallel_loop3A_580 = arith.addi %parallel_loop3A_579, %parallel_loop3A_550 : vector<16xi32>
        %parallel_loop3A_581 = arith.select %lt3A_4, %parallel_loop3A_576, %parallel_loop3A_560 : vector<16xi1>, vector<16xf32>
        tpu.vector_store_idx %arg12[%parallel_loop3A_580, %iota3A], %parallel_loop3A_581 : memref<1600x16xf32, #tpu.memory_space<vmem>>[vector<16xi32>, vector<16xi32>], vector<16xf32>,
      } {sc.loop_unroll_factor = 16 : i64, sc.parallel_access}
      %mul3A_472 = arith.constant 128 : i32
      %mul3A_473 = arith.muli %add3A, %mul3A_472 : i32
      %mul3A_474 = arith.constant 4 : i32
      %mul3A_475 = arith.muli %scan3A_278, %mul3A_474 : i32
      %add3A_476 = arith.addi %mul3A_473, %mul3A_475 : i32
      %mul3A_477 = arith.constant 800 : i32
      %mul3A_478 = arith.muli %rem3A_280, %mul3A_477 : i32
      %add3A_479 = arith.constant 0 : i32
      %add3A_480 = arith.addi %mul3A_478, %add3A_479 : i32
      %add3A_481 = arith.constant 0 : i32
      %add3A_482 = arith.addi %add3A_476, %add3A_481 : i32
      %mul3A_483 = arith.constant 800 : i32
      %mul3A_484 = arith.muli %rem3A_280, %mul3A_483 : i32
      %add3A_485 = arith.constant 200 : i32
      %add3A_486 = arith.addi %mul3A_484, %add3A_485 : i32
      %add3A_487 = arith.constant 1 : i32
      %add3A_488 = arith.addi %add3A_476, %add3A_487 : i32
      %mul3A_489 = arith.constant 800 : i32
      %mul3A_490 = arith.muli %rem3A_280, %mul3A_489 : i32
      %add3A_491 = arith.constant 400 : i32
      %add3A_492 = arith.addi %mul3A_490, %add3A_491 : i32
      %add3A_493 = arith.constant 2 : i32
      %add3A_494 = arith.addi %add3A_476, %add3A_493 : i32
      %mul3A_495 = arith.constant 800 : i32
      %mul3A_496 = arith.muli %rem3A_280, %mul3A_495 : i32
      %add3A_497 = arith.constant 600 : i32
      %add3A_498 = arith.addi %mul3A_496, %add3A_497 : i32
      %add3A_499 = arith.constant 3 : i32
      %add3A_500 = arith.addi %add3A_476, %add3A_499 : i32
      %dma_start3A_501 = arith.constant 0 : i32
      %dma_start3A_502 = tpu.memref_slice %arg12[%add3A_480, %dma_start3A_501] : memref<1600x16xf32, #tpu.memory_space<vmem>> -> memref<200x16xf32, #tpu.memory_space<vmem>>
      %dma_start3A_503 = arith.constant 0 : i32
      %dma_start3A_504 = arith.constant 0 : i32
      %dma_start3A_505 = tpu.memref_slice %arg5[%add3A_482, %dma_start3A_503, %dma_start3A_504] : memref<4096x200x16xf32, #tpu.memory_space<hbm>> -> memref<1x200x16xf32, #tpu.memory_space<hbm>>
      %dma_start3A_506 = tpu.memref_squeeze %dma_start3A_505 : memref<1x200x16xf32, #tpu.memory_space<hbm>> -> memref<200x16xf32, #tpu.memory_space<hbm>>
      %dma_start3A_507 = arith.constant 0 : i32
      %dma_start3A_508 = arith.constant 0 : i32
      %dma_start3A_509 = tpu.memref_slice %arg5[%add3A_482, %dma_start3A_507, %dma_start3A_508] : memref<4096x200x16xf32, #tpu.memory_space<hbm>> -> memref<1x200x16xf32, #tpu.memory_space<hbm>>
      %dma_start3A_510 = tpu.memref_squeeze %dma_start3A_509 : memref<1x200x16xf32, #tpu.memory_space<hbm>> -> memref<200x16xf32, #tpu.memory_space<hbm>>
      %dma_start3A_511 = arith.constant 0 : i32
      %dma_start3A_512 = tpu.memref_slice %arg12[%add3A_480, %dma_start3A_511] : memref<1600x16xf32, #tpu.memory_space<vmem>> -> memref<200x16xf32, #tpu.memory_space<vmem>>
      tpu.enqueue_dma source(%dma_start3A_512 : memref<200x16xf32, #tpu.memory_space<vmem>>) target(%dma_start3A_510 : memref<200x16xf32, #tpu.memory_space<hbm>>) target_semaphore(%arg14 : memref<!tpu.dma_semaphore, #tpu.memory_space<semaphore_mem>>)
      %dma_start3A_513 = arith.constant 0 : i32
      %dma_start3A_514 = tpu.memref_slice %arg12[%add3A_486, %dma_start3A_513] : memref<1600x16xf32, #tpu.memory_space<vmem>> -> memref<200x16xf32, #tpu.memory_space<vmem>>
      %dma_start3A_515 = arith.constant 0 : i32
      %dma_start3A_516 = arith.constant 0 : i32
      %dma_start3A_517 = tpu.memref_slice %arg5[%add3A_488, %dma_start3A_515, %dma_start3A_516] : memref<4096x200x16xf32, #tpu.memory_space<hbm>> -> memref<1x200x16xf32, #tpu.memory_space<hbm>>
      %dma_start3A_518 = tpu.memref_squeeze %dma_start3A_517 : memref<1x200x16xf32, #tpu.memory_space<hbm>> -> memref<200x16xf32, #tpu.memory_space<hbm>>
      %dma_start3A_519 = arith.constant 0 : i32
      %dma_start3A_520 = arith.constant 0 : i32
      %dma_start3A_521 = tpu.memref_slice %arg5[%add3A_488, %dma_start3A_519, %dma_start3A_520] : memref<4096x200x16xf32, #tpu.memory_space<hbm>> -> memref<1x200x16xf32, #tpu.memory_space<hbm>>
      %dma_start3A_522 = tpu.memref_squeeze %dma_start3A_521 : memref<1x200x16xf32, #tpu.memory_space<hbm>> -> memref<200x16xf32, #tpu.memory_space<hbm>>
      %dma_start3A_523 = arith.constant 0 : i32
      %dma_start3A_524 = tpu.memref_slice %arg12[%add3A_486, %dma_start3A_523] : memref<1600x16xf32, #tpu.memory_space<vmem>> -> memref<200x16xf32, #tpu.memory_space<vmem>>
      tpu.enqueue_dma source(%dma_start3A_524 : memref<200x16xf32, #tpu.memory_space<vmem>>) target(%dma_start3A_522 : memref<200x16xf32, #tpu.memory_space<hbm>>) target_semaphore(%arg14 : memref<!tpu.dma_semaphore, #tpu.memory_space<semaphore_mem>>)
      %dma_start3A_525 = arith.constant 0 : i32
      %dma_start3A_526 = tpu.memref_slice %arg12[%add3A_492, %dma_start3A_525] : memref<1600x16xf32, #tpu.memory_space<vmem>> -> memref<200x16xf32, #tpu.memory_space<vmem>>
      %dma_start3A_527 = arith.constant 0 : i32
      %dma_start3A_528 = arith.constant 0 : i32
      %dma_start3A_529 = tpu.memref_slice %arg5[%add3A_494, %dma_start3A_527, %dma_start3A_528] : memref<4096x200x16xf32, #tpu.memory_space<hbm>> -> memref<1x200x16xf32, #tpu.memory_space<hbm>>
      %dma_start3A_530 = tpu.memref_squeeze %dma_start3A_529 : memref<1x200x16xf32, #tpu.memory_space<hbm>> -> memref<200x16xf32, #tpu.memory_space<hbm>>
      %dma_start3A_531 = arith.constant 0 : i32
      %dma_start3A_532 = arith.constant 0 : i32
      %dma_start3A_533 = tpu.memref_slice %arg5[%add3A_494, %dma_start3A_531, %dma_start3A_532] : memref<4096x200x16xf32, #tpu.memory_space<hbm>> -> memref<1x200x16xf32, #tpu.memory_space<hbm>>
      %dma_start3A_534 = tpu.memref_squeeze %dma_start3A_533 : memref<1x200x16xf32, #tpu.memory_space<hbm>> -> memref<200x16xf32, #tpu.memory_space<hbm>>
      %dma_start3A_535 = arith.constant 0 : i32
      %dma_start3A_536 = tpu.memref_slice %arg12[%add3A_492, %dma_start3A_535] : memref<1600x16xf32, #tpu.memory_space<vmem>> -> memref<200x16xf32, #tpu.memory_space<vmem>>
      tpu.enqueue_dma source(%dma_start3A_536 : memref<200x16xf32, #tpu.memory_space<vmem>>) target(%dma_start3A_534 : memref<200x16xf32, #tpu.memory_space<hbm>>) target_semaphore(%arg14 : memref<!tpu.dma_semaphore, #tpu.memory_space<semaphore_mem>>)
      %dma_start3A_537 = arith.constant 0 : i32
      %dma_start3A_538 = tpu.memref_slice %arg12[%add3A_498, %dma_start3A_537] : memref<1600x16xf32, #tpu.memory_space<vmem>> -> memref<200x16xf32, #tpu.memory_space<vmem>>
      %dma_start3A_539 = arith.constant 0 : i32
      %dma_start3A_540 = arith.constant 0 : i32
      %dma_start3A_541 = tpu.memref_slice %arg5[%add3A_500, %dma_start3A_539, %dma_start3A_540] : memref<4096x200x16xf32, #tpu.memory_space<hbm>> -> memref<1x200x16xf32, #tpu.memory_space<hbm>>
      %dma_start3A_542 = tpu.memref_squeeze %dma_start3A_541 : memref<1x200x16xf32, #tpu.memory_space<hbm>> -> memref<200x16xf32, #tpu.memory_space<hbm>>
      %dma_start3A_543 = arith.constant 0 : i32
      %dma_start3A_544 = arith.constant 0 : i32
      %dma_start3A_545 = tpu.memref_slice %arg5[%add3A_500, %dma_start3A_543, %dma_start3A_544] : memref<4096x200x16xf32, #tpu.memory_space<hbm>> -> memref<1x200x16xf32, #tpu.memory_space<hbm>>
      %dma_start3A_546 = tpu.memref_squeeze %dma_start3A_545 : memref<1x200x16xf32, #tpu.memory_space<hbm>> -> memref<200x16xf32, #tpu.memory_space<hbm>>
      %dma_start3A_547 = arith.constant 0 : i32
      %dma_start3A_548 = tpu.memref_slice %arg12[%add3A_498, %dma_start3A_547] : memref<1600x16xf32, #tpu.memory_space<vmem>> -> memref<200x16xf32, #tpu.memory_space<vmem>>
      tpu.enqueue_dma source(%dma_start3A_548 : memref<200x16xf32, #tpu.memory_space<vmem>>) target(%dma_start3A_546 : memref<200x16xf32, #tpu.memory_space<hbm>>) target_semaphore(%arg14 : memref<!tpu.dma_semaphore, #tpu.memory_space<semaphore_mem>>)
    }
    %scan3A_121 = arith.constant 32 : i32
    %rem3A = arith.constant 30 : i32
    %rem3A_122 = arith.constant 2 : i32
    %rem3A_123 = arith.remsi %rem3A, %rem3A_122 : i32
    %mul3A_124 = arith.constant 128 : i32
    %mul3A_125 = arith.muli %add3A, %mul3A_124 : i32
    %add3A_126 = arith.constant 120 : i32
    %add3A_127 = arith.addi %mul3A_125, %add3A_126 : i32
    %mul3A_128 = arith.constant 800 : i32
    %mul3A_129 = arith.muli %rem3A_123, %mul3A_128 : i32
    %add3A_130 = arith.constant 0 : i32
    %add3A_131 = arith.addi %mul3A_129, %add3A_130 : i32
    %add3A_132 = arith.constant 0 : i32
    %add3A_133 = arith.addi %add3A_127, %add3A_132 : i32
    %mul3A_134 = arith.constant 800 : i32
    %mul3A_135 = arith.muli %rem3A_123, %mul3A_134 : i32
    %add3A_136 = arith.constant 200 : i32
    %add3A_137 = arith.addi %mul3A_135, %add3A_136 : i32
    %add3A_138 = arith.constant 1 : i32
    %add3A_139 = arith.addi %add3A_127, %add3A_138 : i32
    %mul3A_140 = arith.constant 800 : i32
    %mul3A_141 = arith.muli %rem3A_123, %mul3A_140 : i32
    %add3A_142 = arith.constant 400 : i32
    %add3A_143 = arith.addi %mul3A_141, %add3A_142 : i32
    %add3A_144 = arith.constant 2 : i32
    %add3A_145 = arith.addi %add3A_127, %add3A_144 : i32
    %mul3A_146 = arith.constant 800 : i32
    %mul3A_147 = arith.muli %rem3A_123, %mul3A_146 : i32
    %add3A_148 = arith.constant 600 : i32
    %add3A_149 = arith.addi %mul3A_147, %add3A_148 : i32
    %add3A_150 = arith.constant 3 : i32
    %add3A_151 = arith.addi %add3A_127, %add3A_150 : i32
    %dma_wait3A = arith.constant 0 : i32
    %dma_wait3A_152 = tpu.memref_slice %arg12[%add3A_131, %dma_wait3A] : memref<1600x16xf32, #tpu.memory_space<vmem>> -> memref<200x16xf32, #tpu.memory_space<vmem>>
    %dma_wait3A_153 = arith.constant 0 : i32
    %dma_wait3A_154 = arith.constant 0 : i32
    %dma_wait3A_155 = tpu.memref_slice %arg5[%add3A_133, %dma_wait3A_153, %dma_wait3A_154] : memref<4096x200x16xf32, #tpu.memory_space<hbm>> -> memref<1x200x16xf32, #tpu.memory_space<hbm>>
    %dma_wait3A_156 = tpu.memref_squeeze %dma_wait3A_155 : memref<1x200x16xf32, #tpu.memory_space<hbm>> -> memref<200x16xf32, #tpu.memory_space<hbm>>
    %dma_wait3A_157 = arith.constant 0 : i32
    %dma_wait3A_158 = arith.constant 0 : i32
    %dma_wait3A_159 = tpu.memref_slice %arg5[%add3A_133, %dma_wait3A_157, %dma_wait3A_158] : memref<4096x200x16xf32, #tpu.memory_space<hbm>> -> memref<1x200x16xf32, #tpu.memory_space<hbm>>
    %dma_wait3A_160 = tpu.memref_squeeze %dma_wait3A_159 : memref<1x200x16xf32, #tpu.memory_space<hbm>> -> memref<200x16xf32, #tpu.memory_space<hbm>>
    %dma_wait3A_161 = arith.constant 0 : i32
    %dma_wait3A_162 = tpu.memref_slice %arg12[%add3A_131, %dma_wait3A_161] : memref<1600x16xf32, #tpu.memory_space<vmem>> -> memref<200x16xf32, #tpu.memory_space<vmem>>
    tpu.wait_dma2 semaphore(%arg14 : memref<!tpu.dma_semaphore, #tpu.memory_space<semaphore_mem>>) src(%dma_wait3A_162 : memref<200x16xf32, #tpu.memory_space<vmem>>) dst(%dma_wait3A_160 : memref<200x16xf32, #tpu.memory_space<hbm>>)
    %dma_wait3A_163 = arith.constant 0 : i32
    %dma_wait3A_164 = tpu.memref_slice %arg12[%add3A_137, %dma_wait3A_163] : memref<1600x16xf32, #tpu.memory_space<vmem>> -> memref<200x16xf32, #tpu.memory_space<vmem>>
    %dma_wait3A_165 = arith.constant 0 : i32
    %dma_wait3A_166 = arith.constant 0 : i32
    %dma_wait3A_167 = tpu.memref_slice %arg5[%add3A_139, %dma_wait3A_165, %dma_wait3A_166] : memref<4096x200x16xf32, #tpu.memory_space<hbm>> -> memref<1x200x16xf32, #tpu.memory_space<hbm>>
    %dma_wait3A_168 = tpu.memref_squeeze %dma_wait3A_167 : memref<1x200x16xf32, #tpu.memory_space<hbm>> -> memref<200x16xf32, #tpu.memory_space<hbm>>
    %dma_wait3A_169 = arith.constant 0 : i32
    %dma_wait3A_170 = arith.constant 0 : i32
    %dma_wait3A_171 = tpu.memref_slice %arg5[%add3A_139, %dma_wait3A_169, %dma_wait3A_170] : memref<4096x200x16xf32, #tpu.memory_space<hbm>> -> memref<1x200x16xf32, #tpu.memory_space<hbm>>
    %dma_wait3A_172 = tpu.memref_squeeze %dma_wait3A_171 : memref<1x200x16xf32, #tpu.memory_space<hbm>> -> memref<200x16xf32, #tpu.memory_space<hbm>>
    %dma_wait3A_173 = arith.constant 0 : i32
    %dma_wait3A_174 = tpu.memref_slice %arg12[%add3A_137, %dma_wait3A_173] : memref<1600x16xf32, #tpu.memory_space<vmem>> -> memref<200x16xf32, #tpu.memory_space<vmem>>
    tpu.wait_dma2 semaphore(%arg14 : memref<!tpu.dma_semaphore, #tpu.memory_space<semaphore_mem>>) src(%dma_wait3A_174 : memref<200x16xf32, #tpu.memory_space<vmem>>) dst(%dma_wait3A_172 : memref<200x16xf32, #tpu.memory_space<hbm>>)
    %dma_wait3A_175 = arith.constant 0 : i32
    %dma_wait3A_176 = tpu.memref_slice %arg12[%add3A_143, %dma_wait3A_175] : memref<1600x16xf32, #tpu.memory_space<vmem>> -> memref<200x16xf32, #tpu.memory_space<vmem>>
    %dma_wait3A_177 = arith.constant 0 : i32
    %dma_wait3A_178 = arith.constant 0 : i32
    %dma_wait3A_179 = tpu.memref_slice %arg5[%add3A_145, %dma_wait3A_177, %dma_wait3A_178] : memref<4096x200x16xf32, #tpu.memory_space<hbm>> -> memref<1x200x16xf32, #tpu.memory_space<hbm>>
    %dma_wait3A_180 = tpu.memref_squeeze %dma_wait3A_179 : memref<1x200x16xf32, #tpu.memory_space<hbm>> -> memref<200x16xf32, #tpu.memory_space<hbm>>
    %dma_wait3A_181 = arith.constant 0 : i32
    %dma_wait3A_182 = arith.constant 0 : i32
    %dma_wait3A_183 = tpu.memref_slice %arg5[%add3A_145, %dma_wait3A_181, %dma_wait3A_182] : memref<4096x200x16xf32, #tpu.memory_space<hbm>> -> memref<1x200x16xf32, #tpu.memory_space<hbm>>
    %dma_wait3A_184 = tpu.memref_squeeze %dma_wait3A_183 : memref<1x200x16xf32, #tpu.memory_space<hbm>> -> memref<200x16xf32, #tpu.memory_space<hbm>>
    %dma_wait3A_185 = arith.constant 0 : i32
    %dma_wait3A_186 = tpu.memref_slice %arg12[%add3A_143, %dma_wait3A_185] : memref<1600x16xf32, #tpu.memory_space<vmem>> -> memref<200x16xf32, #tpu.memory_space<vmem>>
    tpu.wait_dma2 semaphore(%arg14 : memref<!tpu.dma_semaphore, #tpu.memory_space<semaphore_mem>>) src(%dma_wait3A_186 : memref<200x16xf32, #tpu.memory_space<vmem>>) dst(%dma_wait3A_184 : memref<200x16xf32, #tpu.memory_space<hbm>>)
    %dma_wait3A_187 = arith.constant 0 : i32
    %dma_wait3A_188 = tpu.memref_slice %arg12[%add3A_149, %dma_wait3A_187] : memref<1600x16xf32, #tpu.memory_space<vmem>> -> memref<200x16xf32, #tpu.memory_space<vmem>>
    %dma_wait3A_189 = arith.constant 0 : i32
    %dma_wait3A_190 = arith.constant 0 : i32
    %dma_wait3A_191 = tpu.memref_slice %arg5[%add3A_151, %dma_wait3A_189, %dma_wait3A_190] : memref<4096x200x16xf32, #tpu.memory_space<hbm>> -> memref<1x200x16xf32, #tpu.memory_space<hbm>>
    %dma_wait3A_192 = tpu.memref_squeeze %dma_wait3A_191 : memref<1x200x16xf32, #tpu.memory_space<hbm>> -> memref<200x16xf32, #tpu.memory_space<hbm>>
    %dma_wait3A_193 = arith.constant 0 : i32
    %dma_wait3A_194 = arith.constant 0 : i32
    %dma_wait3A_195 = tpu.memref_slice %arg5[%add3A_151, %dma_wait3A_193, %dma_wait3A_194] : memref<4096x200x16xf32, #tpu.memory_space<hbm>> -> memref<1x200x16xf32, #tpu.memory_space<hbm>>
    %dma_wait3A_196 = tpu.memref_squeeze %dma_wait3A_195 : memref<1x200x16xf32, #tpu.memory_space<hbm>> -> memref<200x16xf32, #tpu.memory_space<hbm>>
    %dma_wait3A_197 = arith.constant 0 : i32
    %dma_wait3A_198 = tpu.memref_slice %arg12[%add3A_149, %dma_wait3A_197] : memref<1600x16xf32, #tpu.memory_space<vmem>> -> memref<200x16xf32, #tpu.memory_space<vmem>>
    tpu.wait_dma2 semaphore(%arg14 : memref<!tpu.dma_semaphore, #tpu.memory_space<semaphore_mem>>) src(%dma_wait3A_198 : memref<200x16xf32, #tpu.memory_space<vmem>>) dst(%dma_wait3A_196 : memref<200x16xf32, #tpu.memory_space<hbm>>)
    %rem3A_199 = arith.constant 31 : i32
    %rem3A_200 = arith.constant 2 : i32
    %rem3A_201 = arith.remsi %rem3A_199, %rem3A_200 : i32
    %mul3A_202 = arith.constant 128 : i32
    %mul3A_203 = arith.muli %add3A, %mul3A_202 : i32
    %add3A_204 = arith.constant 124 : i32
    %add3A_205 = arith.addi %mul3A_203, %add3A_204 : i32
    %mul3A_206 = arith.constant 800 : i32
    %mul3A_207 = arith.muli %rem3A_201, %mul3A_206 : i32
    %add3A_208 = arith.constant 0 : i32
    %add3A_209 = arith.addi %mul3A_207, %add3A_208 : i32
    %add3A_210 = arith.constant 0 : i32
    %add3A_211 = arith.addi %add3A_205, %add3A_210 : i32
    %mul3A_212 = arith.constant 800 : i32
    %mul3A_213 = arith.muli %rem3A_201, %mul3A_212 : i32
    %add3A_214 = arith.constant 200 : i32
    %add3A_215 = arith.addi %mul3A_213, %add3A_214 : i32
    %add3A_216 = arith.constant 1 : i32
    %add3A_217 = arith.addi %add3A_205, %add3A_216 : i32
    %mul3A_218 = arith.constant 800 : i32
    %mul3A_219 = arith.muli %rem3A_201, %mul3A_218 : i32
    %add3A_220 = arith.constant 400 : i32
    %add3A_221 = arith.addi %mul3A_219, %add3A_220 : i32
    %add3A_222 = arith.constant 2 : i32
    %add3A_223 = arith.addi %add3A_205, %add3A_222 : i32
    %mul3A_224 = arith.constant 800 : i32
    %mul3A_225 = arith.muli %rem3A_201, %mul3A_224 : i32
    %add3A_226 = arith.constant 600 : i32
    %add3A_227 = arith.addi %mul3A_225, %add3A_226 : i32
    %add3A_228 = arith.constant 3 : i32
    %add3A_229 = arith.addi %add3A_205, %add3A_228 : i32
    %dma_wait3A_230 = arith.constant 0 : i32
    %dma_wait3A_231 = tpu.memref_slice %arg12[%add3A_209, %dma_wait3A_230] : memref<1600x16xf32, #tpu.memory_space<vmem>> -> memref<200x16xf32, #tpu.memory_space<vmem>>
    %dma_wait3A_232 = arith.constant 0 : i32
    %dma_wait3A_233 = arith.constant 0 : i32
    %dma_wait3A_234 = tpu.memref_slice %arg5[%add3A_211, %dma_wait3A_232, %dma_wait3A_233] : memref<4096x200x16xf32, #tpu.memory_space<hbm>> -> memref<1x200x16xf32, #tpu.memory_space<hbm>>
    %dma_wait3A_235 = tpu.memref_squeeze %dma_wait3A_234 : memref<1x200x16xf32, #tpu.memory_space<hbm>> -> memref<200x16xf32, #tpu.memory_space<hbm>>
    %dma_wait3A_236 = arith.constant 0 : i32
    %dma_wait3A_237 = arith.constant 0 : i32
    %dma_wait3A_238 = tpu.memref_slice %arg5[%add3A_211, %dma_wait3A_236, %dma_wait3A_237] : memref<4096x200x16xf32, #tpu.memory_space<hbm>> -> memref<1x200x16xf32, #tpu.memory_space<hbm>>
    %dma_wait3A_239 = tpu.memref_squeeze %dma_wait3A_238 : memref<1x200x16xf32, #tpu.memory_space<hbm>> -> memref<200x16xf32, #tpu.memory_space<hbm>>
    %dma_wait3A_240 = arith.constant 0 : i32
    %dma_wait3A_241 = tpu.memref_slice %arg12[%add3A_209, %dma_wait3A_240] : memref<1600x16xf32, #tpu.memory_space<vmem>> -> memref<200x16xf32, #tpu.memory_space<vmem>>
    tpu.wait_dma2 semaphore(%arg14 : memref<!tpu.dma_semaphore, #tpu.memory_space<semaphore_mem>>) src(%dma_wait3A_241 : memref<200x16xf32, #tpu.memory_space<vmem>>) dst(%dma_wait3A_239 : memref<200x16xf32, #tpu.memory_space<hbm>>)
    %dma_wait3A_242 = arith.constant 0 : i32
    %dma_wait3A_243 = tpu.memref_slice %arg12[%add3A_215, %dma_wait3A_242] : memref<1600x16xf32, #tpu.memory_space<vmem>> -> memref<200x16xf32, #tpu.memory_space<vmem>>
    %dma_wait3A_244 = arith.constant 0 : i32
    %dma_wait3A_245 = arith.constant 0 : i32
    %dma_wait3A_246 = tpu.memref_slice %arg5[%add3A_217, %dma_wait3A_244, %dma_wait3A_245] : memref<4096x200x16xf32, #tpu.memory_space<hbm>> -> memref<1x200x16xf32, #tpu.memory_space<hbm>>
    %dma_wait3A_247 = tpu.memref_squeeze %dma_wait3A_246 : memref<1x200x16xf32, #tpu.memory_space<hbm>> -> memref<200x16xf32, #tpu.memory_space<hbm>>
    %dma_wait3A_248 = arith.constant 0 : i32
    %dma_wait3A_249 = arith.constant 0 : i32
    %dma_wait3A_250 = tpu.memref_slice %arg5[%add3A_217, %dma_wait3A_248, %dma_wait3A_249] : memref<4096x200x16xf32, #tpu.memory_space<hbm>> -> memref<1x200x16xf32, #tpu.memory_space<hbm>>
    %dma_wait3A_251 = tpu.memref_squeeze %dma_wait3A_250 : memref<1x200x16xf32, #tpu.memory_space<hbm>> -> memref<200x16xf32, #tpu.memory_space<hbm>>
    %dma_wait3A_252 = arith.constant 0 : i32
    %dma_wait3A_253 = tpu.memref_slice %arg12[%add3A_215, %dma_wait3A_252] : memref<1600x16xf32, #tpu.memory_space<vmem>> -> memref<200x16xf32, #tpu.memory_space<vmem>>
    tpu.wait_dma2 semaphore(%arg14 : memref<!tpu.dma_semaphore, #tpu.memory_space<semaphore_mem>>) src(%dma_wait3A_253 : memref<200x16xf32, #tpu.memory_space<vmem>>) dst(%dma_wait3A_251 : memref<200x16xf32, #tpu.memory_space<hbm>>)
    %dma_wait3A_254 = arith.constant 0 : i32
    %dma_wait3A_255 = tpu.memref_slice %arg12[%add3A_221, %dma_wait3A_254] : memref<1600x16xf32, #tpu.memory_space<vmem>> -> memref<200x16xf32, #tpu.memory_space<vmem>>
    %dma_wait3A_256 = arith.constant 0 : i32
    %dma_wait3A_257 = arith.constant 0 : i32
    %dma_wait3A_258 = tpu.memref_slice %arg5[%add3A_223, %dma_wait3A_256, %dma_wait3A_257] : memref<4096x200x16xf32, #tpu.memory_space<hbm>> -> memref<1x200x16xf32, #tpu.memory_space<hbm>>
    %dma_wait3A_259 = tpu.memref_squeeze %dma_wait3A_258 : memref<1x200x16xf32, #tpu.memory_space<hbm>> -> memref<200x16xf32, #tpu.memory_space<hbm>>
    %dma_wait3A_260 = arith.constant 0 : i32
    %dma_wait3A_261 = arith.constant 0 : i32
    %dma_wait3A_262 = tpu.memref_slice %arg5[%add3A_223, %dma_wait3A_260, %dma_wait3A_261] : memref<4096x200x16xf32, #tpu.memory_space<hbm>> -> memref<1x200x16xf32, #tpu.memory_space<hbm>>
    %dma_wait3A_263 = tpu.memref_squeeze %dma_wait3A_262 : memref<1x200x16xf32, #tpu.memory_space<hbm>> -> memref<200x16xf32, #tpu.memory_space<hbm>>
    %dma_wait3A_264 = arith.constant 0 : i32
    %dma_wait3A_265 = tpu.memref_slice %arg12[%add3A_221, %dma_wait3A_264] : memref<1600x16xf32, #tpu.memory_space<vmem>> -> memref<200x16xf32, #tpu.memory_space<vmem>>
    tpu.wait_dma2 semaphore(%arg14 : memref<!tpu.dma_semaphore, #tpu.memory_space<semaphore_mem>>) src(%dma_wait3A_265 : memref<200x16xf32, #tpu.memory_space<vmem>>) dst(%dma_wait3A_263 : memref<200x16xf32, #tpu.memory_space<hbm>>)
    %dma_wait3A_266 = arith.constant 0 : i32
    %dma_wait3A_267 = tpu.memref_slice %arg12[%add3A_227, %dma_wait3A_266] : memref<1600x16xf32, #tpu.memory_space<vmem>> -> memref<200x16xf32, #tpu.memory_space<vmem>>
    %dma_wait3A_268 = arith.constant 0 : i32
    %dma_wait3A_269 = arith.constant 0 : i32
    %dma_wait3A_270 = tpu.memref_slice %arg5[%add3A_229, %dma_wait3A_268, %dma_wait3A_269] : memref<4096x200x16xf32, #tpu.memory_space<hbm>> -> memref<1x200x16xf32, #tpu.memory_space<hbm>>
    %dma_wait3A_271 = tpu.memref_squeeze %dma_wait3A_270 : memref<1x200x16xf32, #tpu.memory_space<hbm>> -> memref<200x16xf32, #tpu.memory_space<hbm>>
    %dma_wait3A_272 = arith.constant 0 : i32
    %dma_wait3A_273 = arith.constant 0 : i32
    %dma_wait3A_274 = tpu.memref_slice %arg5[%add3A_229, %dma_wait3A_272, %dma_wait3A_273] : memref<4096x200x16xf32, #tpu.memory_space<hbm>> -> memref<1x200x16xf32, #tpu.memory_space<hbm>>
    %dma_wait3A_275 = tpu.memref_squeeze %dma_wait3A_274 : memref<1x200x16xf32, #tpu.memory_space<hbm>> -> memref<200x16xf32, #tpu.memory_space<hbm>>
    %dma_wait3A_276 = arith.constant 0 : i32
    %dma_wait3A_277 = tpu.memref_slice %arg12[%add3A_227, %dma_wait3A_276] : memref<1600x16xf32, #tpu.memory_space<vmem>> -> memref<200x16xf32, #tpu.memory_space<vmem>>
    tpu.wait_dma2 semaphore(%arg14 : memref<!tpu.dma_semaphore, #tpu.memory_space<semaphore_mem>>) src(%dma_wait3A_277 : memref<200x16xf32, #tpu.memory_space<vmem>>) dst(%dma_wait3A_275 : memref<200x16xf32, #tpu.memory_space<hbm>>)
    return
  }
}

</mosaic_0001>

<sc_bundles>
// kernel: kernel.3.cloned.1.call-start
scs
__scs_entry_jumppad:
0x0: {  	(pc) =	sbr.rel $0x88, $3  }
0x1: {  	(tag) =	ssettag $0x0;
	lr =	simm.s32 $0x1  }
0x2: {  	[smem:$0x3F9F] =	sst lr;
	_ =	strace $0xD0000000  }
0x3: {  	_ = 	snop  }
0x4: {  	_ = 	snop  }
0x5: {  	_ = 	snop  }
0x6: {  	_ = 	snop  }
0x7: {  	_ = 	snop  }
__scs_overlays_trampoline_lowered:
0x8: {  	[smem:$0x3FAE] =	sst s0  }
0x9: {  	[smem:$0x3FAF] =	sst s1  }
0xa: {  	[smem:$0x3FB0] =	sst s2  }
0xb: {  	[smem:$0x3FB1] =	sst s3  }
0xc: {  	[smem:$0x3FB2] =	sst s4  }
0xd: {  	[smem:$0x3FB3] =	sst s5  }
0xe: {  	[smem:$0x3FB4] =	sst s6  }
0xf: {  	[smem:$0x3FB5] =	sst s7  }
0x10: {  	[smem:$0x3FB6] =	sst s8  }
0x11: {  	[smem:$0x3FB7] =	sst s9;
	s0 =	simm.s32 @!p0 $0x0  }
0x12: {  	s1 =	sld [smem:$0x3F9D];
	s0 =	simm.s32 @p0 $0x1  }
0x13: {  	[smem:$0x3FB8] =	sst s0;
	s0 =	simm.s32 @!p1 $0x0  }
0x14: {  	s2 =	sld [smem:$0x3F9C];
	s0 =	simm.s32 @p1 $0x1  }
0x15: {  	[smem:$0x3FB9] =	sst s0;
	s0 =	simm.s32 @!p2 $0x0  }
0x16: {  	s3 =	sld [smem:$0x3FDB];
	s0 =	simm.s32 @p2 $0x1  }
0x17: {  	s4 =	simm.s32 $0x1BF5;
	[smem:$0x3FBB] =	sst s0  }
0x18: {  	s0 =	sld [smem:$0x3F9E];
	_ =	swait.ge [sflag:s4], $0x0  }
0x19: {  	s7 =	sld [smem:$0x3F9F]  }
0x1a: {  	s8 =	sadd.s32 $0xFFFFE003, lr  }
0x1b: {  	s9 =	sadd.s32 $0xFFFFFEF7, lr;
	s5 =	simm.s32 $0xFFFFFFFF;
	p2 =	slt.u32 s8, $0xFFFFF086  }
0x1c: {  	p1 =	slt.u32 s9, $0xF7A;
	s5 =	simm.s32 @!p2 $0x0  }
0x1d: {  	s5 =	simm.s32 @p1 $0x1;
	p0 =	seq.s32 s7, s2  }
0x1e: {  	s7 =	smul.u32 @!p0 $0xF7A, s2;
	p2 =	seq.s32 @!p0 s5, $0x0  }
0x1f: {  	s9 =	smul.u32 $0xF7A, s1;
	s8 =	simm.s32 @!p0 $0x1BF5;
	p2 =	por !p2, p0  }
0x20: {  	[sflag:s8] =	ssyncset.s32 @!p0 $0xFFFFF086;
	s6 =	sadd.s32 @!p0 s3, s7;
	s7 =	simm.s32 @!p0 $0x108  }
0x21: {  	s3 =	sadd.s32 s3, s9;
	s6 =	sadd.s32 @!p0 $0x88, s6;
	s7 =	simm.s32 @p2 $0x1082  }
0x22: {  	[simem:s7], [sflag:s8] =	dma.local @!p0 [hbm:s6], $0xF7A  }
0x23: {  	s9 =	sor.u32 $0xD0000000, s2;
	s6 =	simm.s32 $0x108;
	_ =	swait.ge @!p0 [sflag:s8], $0x0  }
0x24: {  	s3 =	sadd.s32 $0x88, s3;
	s6 =	simm.s32 @!p1 $0x1082;
	[sflag:s4] =	ssyncset.s32 $0xFFFFF086  }
0x25: {  	[simem:s6], [sflag:s4] =	dma.local [hbm:s3], $0xF7A  }
0x26: {  	[smem:$0x3F9F] =	sst s1;
	(tag) =	ssettag s2;
	_ =	strace s9  }
0x27: {  	s1 =	sld [smem:$0x3FAF]  }
0x28: {  	s2 =	sld [smem:$0x3FB0]  }
0x29: {  	s4 =	sld [smem:$0x3FB2]  }
0x2a: {  	p0 =	seq.s32 s5, $0x0;
	s5 =	sld [smem:$0x3FB3]  }
0x2b: {  	s6 =	sld [smem:$0x3FB4]  }
0x2c: {  	s7 =	sld [smem:$0x3FB5]  }
0x2d: {  	s3 =	simm.s32 $0x108;
	s8 =	sld [smem:$0x3FB6]  }
0x2e: {  	s3 =	simm.s32 @!p0 $0x1082;
	s9 =	sld [smem:$0x3FB7]  }
0x2f: {  	lr =	sadd.s32 s0, s3;
	s0 =	sld [smem:$0x3FAE]  }
0x30: {  	s3 =	sld [smem:$0x3FB1]  }
0x31: {  	[smem:$0x3FBA] =	sst s10  }
0x32: {  	s10 =	sld [smem:$0x3FB8];
	_ =	sdelay $0x3  }
0x33: {  	p0 =	seq.s32 s10, $0x1;
	s10 =	sld [smem:$0x3FBA];
	_ =	sdelay $0x3  }
0x34: {  	[smem:$0x3FBA] =	sst s10  }
0x35: {  	s10 =	sld [smem:$0x3FB9];
	_ =	sdelay $0x3  }
0x36: {  	p1 =	seq.s32 s10, $0x1;
	s10 =	sld [smem:$0x3FBA];
	_ =	sdelay $0x3  }
0x37: {  	[smem:$0x3FBA] =	sst s10  }
0x38: {  	s10 =	sld [smem:$0x3FBB]  }
0x39: {  	_ = 	snop;
	(pc) =	sbr.ind lr, $3  }
0x3a: {  	_ = 	snop  }
0x3b: {  	_ = 	snop  }
0x3c: {  	p2 =	seq.s32 s10, $0x1;
	s10 =	sld [smem:$0x3FBA]  }
0x3d: {  	_ =	shalt  }
0x3e: {  	_ =	shalt  }
0x3f: {  	_ =	shalt  }
0x40: {  	_ =	shalt  }
0x41: {  	_ =	shalt  }
0x42: {  	_ =	shalt  }
0x43: {  	_ =	shalt  }
0x44: {  	_ =	shalt  }
0x45: {  	_ =	shalt  }
0x46: {  	_ =	shalt  }
0x47: {  	_ =	shalt  }
0x48: {  	_ =	shalt  }
0x49: {  	_ =	shalt  }
0x4a: {  	_ =	shalt  }
0x4b: {  	_ =	shalt  }
0x4c: {  	_ =	shalt  }
0x4d: {  	_ =	shalt  }
0x4e: {  	_ =	shalt  }
0x4f: {  	_ =	shalt  }
0x50: {  	_ =	shalt  }
0x51: {  	_ =	shalt  }
0x52: {  	_ =	shalt  }
0x53: {  	_ =	shalt  }
0x54: {  	_ =	shalt  }
0x55: {  	_ =	shalt  }
0x56: {  	_ =	shalt  }
0x57: {  	_ =	shalt  }
0x58: {  	_ =	shalt  }
0x59: {  	_ =	shalt  }
0x5a: {  	_ =	shalt  }
0x5b: {  	_ =	shalt  }
0x5c: {  	_ =	shalt  }
0x5d: {  	_ =	shalt  }
0x5e: {  	_ =	shalt  }
0x5f: {  	_ =	shalt  }
0x60: {  	_ =	shalt  }
0x61: {  	_ =	shalt  }
0x62: {  	_ =	shalt  }
0x63: {  	_ =	shalt  }
0x64: {  	_ =	shalt  }
0x65: {  	_ =	shalt  }
0x66: {  	_ =	shalt  }
0x67: {  	_ =	shalt  }
0x68: {  	_ =	shalt  }
0x69: {  	_ =	shalt  }
0x6a: {  	_ =	shalt  }
0x6b: {  	_ =	shalt  }
0x6c: {  	_ =	shalt  }
0x6d: {  	_ =	shalt  }
0x6e: {  	_ =	shalt  }
0x6f: {  	_ =	shalt  }
0x70: {  	_ =	shalt  }
0x71: {  	_ =	shalt  }
0x72: {  	_ =	shalt  }
0x73: {  	_ =	shalt  }
0x74: {  	_ =	shalt  }
0x75: {  	_ =	shalt  }
0x76: {  	_ =	shalt  }
0x77: {  	_ =	shalt  }
0x78: {  	_ =	shalt  }
0x79: {  	_ =	shalt  }
0x7a: {  	_ =	shalt  }
0x7b: {  	_ =	shalt  }
0x7c: {  	_ =	shalt  }
0x7d: {  	_ =	shalt  }
0x7e: {  	_ =	shalt  }
0x7f: {  	_ =	shalt  }
0x80: {  	_ =	shalt  }
0x81: {  	_ =	shalt  }
0x82: {  	_ =	shalt  }
0x83: {  	_ =	shalt  }
0x84: {  	_ =	shalt  }
0x85: {  	_ =	shalt  }
0x86: {  	_ =	shalt  }
0x87: {  	_ =	shalt  }
.Lfunc_end0:
.L_simem_size_0:
called_computation.1_lowered:
.L_overlay_start_0:
0x88: {  	s2 =	sld [smem:$0x3FD9]  }
0x89: {  	s3 =	sld [smem:$0x3FFE];
	_ =	sdelay $0x1  }
0x8a: {  	s1 =	srdreg.scid  }
0x8b: {  	s0 =	sand.u32 $0x1, s1  }
0x8c: {  	s17 =	sshll.u32 s0, $0xA;
	s2 =	sadd.s32 s3, s2  }
0x8d: {  	s2 =	sadd.s32 s2, s17  }
0x8e: {  	[smem:$0x3FC6] =	sst s2  }
0x8f: {  	_ = 	snop  }
0x90: {  	s2 =	sld [smem:$0x3FD0];
	(tm) =	ssettm $0x1  }
0x91: {  	s18 =	sld [smem:$0x3FFB];
	_ =	sdelay $0x3  }
0x92: {  	_ =	strace s18  }
0x93: {  	s3 =	sld [smem:$0x3FFC];
	_ =	sdelay $0x3  }
0x94: {  	_ =	strace s3  }
0x95: {  	s3 =	sld [smem:$0x3FFD];
	_ =	sdelay $0x3  }
0x96: {  	_ =	strace s3  }
0x97: {  	_ =	strace $0x8FFFFFFF  }
0x98: {  	s19 =	sld [smem:$0x3FDB];
	_ =	sdelay $0x1  }
0x99: {  	s4 =	simm.s32 $_scs_section_size  }
0x9a: {  	s5 =	simm.s32 $_size__tile_overlayer_lowered;
	s6 =	simm.s32 $_tile_overlayer_lowered  }
0x9b: {  	s22 =	simm.s32 $0x1BFF;
	s21 =	sshll.u32 s6, $0x1;
	s3 =	sadd.s32 s4, s19  }
0x9c: {  	s7 =	simm.s32 $0x0;
	s20 =	sshll.u32 s5, $0x1;
	s5 =	sadd.s32 s21, s3  }
0x9d: {  	[timem:s7], [sflag:s22] =	dma.local [hbm:s5], s20  }
0x9e: {  	_ =	swait.ge [sflag:s22], s20  }
0x9f: {  	s4 =	ssub.s32 $0x0, s20;
	[sflag:s22] =	ssyncset.done $0x0  }
0xa0: {  	[sflag:s22] =	ssyncadd.s32 s4;
	_ =	sdelay $0x1  }
0xa1: {  	s23 =	simm.s32 $0x1B8B  }
0xa2: {  	_ =	swait.ge [sflag:s23], $0x1  }
0xa3: {  	[sflag:s23] =	ssyncset.done $0x0  }
0xa4: {  	s25 =	simm.s32 $0x1B8E;
	s24 =	sld [smem:$0x3FFE];
	[sflag:s23] =	ssyncadd.s32 $0xFFFFFFFF  }
0xa5: {  	s26 =	simm.s32 $execute0_lowered;
	[smem:$0x3FD2] =	sst s25  }
0xa6: {  	s5 =	sshll.u32 s26, $0x1;
	_ =	strace $0x80000046;
	[dreg:$0x1] =	wrdreg $0xFFFFFFFF  }
0xa7: {  	s28 =	simm.s32 $_size_execute0_lowered;
	s3 =	sadd.s32 s3, s5;
	[dreg:$0x0] =	wrdreg $0x0  }
0xa8: {  	s5 =	sshll.u32 s28, $0x1;
	[dreg:$0x2] =	wrdreg s3  }
0xa9: {  	[dreg:$0x3] =	wrdreg s5  }
0xaa: {  	[dreg:$0x4] =	wrdreg $0xC0  }
0xab: {  	_ =	task [dreg:s7], $0x5FFFF  }
0xac: {  	[dreg:$0x1] =	wrdreg $0xFFFFFFFF  }
0xad: {  	[dreg:$0x0] =	wrdreg $0x60  }
0xae: {  	[dreg:$0x2] =	wrdreg s24  }
0xaf: {  	[dreg:$0x3] =	wrdreg s2  }
0xb0: {  	[dreg:$0x4] =	wrdreg $0x9  }
0xb1: {  	_ =	task.clear_ibuf [dreg:s7], $0x5FFFF;
	_ =	strace $0x90000046  }
0xb2: {  	s29 =	simm.s32 $0x9;
	_ =	strace $0x80000048  }
0xb3: {  	_ =	swait.ge [sflag:s29], $0x1  }
0xb4: {  	[sflag:s29] =	ssyncadd.s32 $0xFFFFFFFF  }
0xb5: {  	_ =	strace $0x90000048  }
0xb6: {  	_ =	sfence  }
0xb7: {  	s30 =	sld [smem:$0x0];
	_ =	sdelay $0x2  }
0xb8: {  	s31 =	sshll.u32 s1, $0xD;
	s1 =	sshrl.u32 s1, $0x2  }
0xb9: {  	s3 =	sand.u32 $0x4000, s31;
	s1 =	sadd.s32 s1, s30  }
0xba: {  	s0 =	sor.u32 s3, s0;
	s1 =	sshll.u32 s1, $0x11  }
0xbb: {  	s0 =	sor.u32 s1, s0  }
0xbc: {  	s0 =	sadd.s32 $0x8F2B, s0  }
0xbd: {  	[sflag:s0] =	ssyncadd.remote.s32 $0x1  }
0xbe: {  	_ =	sfence.sel $0xFFFF  }
0xbf: {  	[dreg:$0x0] =	wrdreg $0xFFFFFFFF;
	(pc) =	sbr.abs _section_cstart, $3  }
0xc0: {  	[dreg:$0x1] =	wrdreg $0xFFFFFFFF  }
0xc1: {  	_ =	task.clear_ibuf [dreg:s7], $0x2FFFF;
	_ =	strace $0x9FFFFFFF  }
0xc2: {  	(tm) =	ssettm $0x7FFFFFFF  }
0xc3: {  	_ =	shalt  }
tec
execute0_lowered:
.L_overlay_start_1:
0x0: {  	(tag) =	ssettag $0x1  }
0x1: {  	s0 =	rddreg [dreg:$0x0]  }
0x2: {  	s1 =	srdreg.scid;
	s3 =	stileid.u32  }
0x3: {  	s2 =	rddreg [dreg:$0x1];
	s12 =	simm.s32 $0x3;
	s13 =	simm.s32 $0x12C0  }
0x4: {  	s14 =	simm.s32 $0x640;
	s16 =	simm.s32 $0x2580;
	s23 =	simm.s32 $0x40  }
0x5: {  	v0 =	vimm.s32 $0xDDDCBA98;
	v1 =	vimm.s32 $0x76543210;
	s28 =	simm.s32 $0x1;
	s29 =	simm.s32 $0xC80;
	s30 =	simm.s32 $0xED80  }
0x6: {  	s31 =	simm.s32 $0x2;
	s1 =	sand.u32 $0x1, s1;
	s4 =	sshll.u32 s3, $0x1;
	v0 =	vunpack.c.l.s4.s8 v0;
	v1 =	vunpack.c.l.s4.s8 v1  }
0x7: {  	s3 =	simm.s32 $0x0;
	s8 =	sor.u32 s1, s4;
	s1 =	ssub.s32 $0x2, s1  }
0x8: {  	s5 =	sadd.s32 $0xF42E00, s0;
	s4 =	smul.u32 $0x6400, s8;
	s9 =	sshrl.u32 s1, $0x1;
	v0 =	vunpack.c.0.s8.s32 v0;
	v1 =	vunpack.c.0.s8.s32 v1  }
0x9: {  	s6 =	sadd.s32 $0xA00, s0;
	s7 =	sadd.s32 $0x19A00, s0;
	s24 =	ssub.s32 s1, s9  }
0xa: {  	[smem:$0x7FF] =	sst s3;
	s10 =	sshrl.u32 s4, $0x3;
	s0 =	smax.u32 s24, $0x1;
	v2 =	vcombine.low v1, v0;
	v0 =	vlaneseq.u32  }
0xb: {  	_ =	strace $0x80000047;
	s25 =	sadd.s32 s6, s10;
	[dreg:$0x5] =	wrdreg s0;
	v1 =	vand.u32 $0x1, v0  }
0xc: {  	s1 =	simm.s32 $0x0;
	s26 =	sadd.s32 s7, s10;
	[dreg:$0x3] =	wrdreg s25;
	v2 =	vand.u32 $0xF, v2;
	[tilespmem:$0x1FFF0] =	vst v1  }
0xd: {  	vm0 =	vmmov $0x3fff;
	s24 =	simm.s32 $0x80;
	s10 =	sshll.u32 s8, $0x7;
	[dreg:$0x4] =	wrdreg s26;
	[tilespmem:$0x1FFE0] =	vst v2  }
.LBB2_1:
0xe: {  	s0 =	rddreg [dreg:$0x3]  }
0xf: {  	[tilespmem:s3], [sflag:$0x3] =	stream.linear.gather [hbm4b:s0+s3], $0x320, $0x38;
	[tilespmem:$0x15180] =	vst v63  }
0x10: {  	_ =	swait.ge [sflag:s12], $0x320  }
0x11: {  	[sflag:s12] =	ssyncset.done $0x0  }
0x12: {  	s25 =	rddreg [dreg:$0x4];
	[sflag:s12] =	ssyncadd.s32 $0xFFFFFCE0  }
0x13: {  	[tilespmem:s13], [sflag:$0x3] =	stream.linear.gather [hbm4b:s25+s3], $0x320, $0x38;
	[tilespmem:$0x15180] =	vst v63  }
0x14: {  	_ =	swait.ge [sflag:s12], $0x320  }
0x15: {  	[sflag:s12] =	ssyncset.done $0x0  }
0x16: {  	s26 =	simm.s32 $0x20;
	[sflag:s12] =	ssyncadd.s32 $0xFFFFFCE0  }
0x17: {  	v3 =	vld [tilespmem:s26+$0x10]  }
0x18: {  	v5 =	vld [tilespmem:s26+$0xFFFFFFE0];
	_ =	sdelay $0x1  }
0x19: {  	v4 =	vld [tilespmem:s26+$0xFFFFFFF0];
	_ =	sdelay $0x1  }
0x1a: {  	v6 =	vld [tilespmem:s26+$0x0];
	v3 =	vmul.u32 $0xE, v3  }
0x1b: {  	s9 =	simm.s32 $0x60;
	v5 =	vmul.u32 $0xE, v5  }
0x1c: {  	s8 =	simm.s32 $0x660;
	v8 =	vld [tilespmem:s9+$0x10];
	v7 =	vshra.s32 v3, $0x4  }
0x1d: {  	v4 =	vmul.u32 $0xE, v4;
	v10 =	vshra.s32 v5, $0x4;
	[tilespmem:s8+$0x10] =	vst v7  }
0x1e: {  	s0 =	simm.s32 $0xCA0;
	v3 =	vand.u32 $0xE, v3;
	[tilespmem:s8+$0xFFFFFFE0] =	vst v10  }
0x1f: {  	v9 =	vld [tilespmem:s9+$0xFFFFFFF0];
	v6 =	vmul.u32 $0xE, v6;
	v7 =	vshra.s32 v4, $0x4;
	[tilespmem:s0+$0x10] =	vst v3  }
0x20: {  	v5 =	vand.u32 $0xE, v5;
	v3 =	vld [tilespmem:s9+$0x0];
	[tilespmem:s8+$0xFFFFFFF0] =	vst v7  }
0x21: {  	[tilespmem:s0+$0xFFFFFFE0] =	vst v5;
	v7 =	vshra.s32 v6, $0x4;
	v5 =	vmul.u32 $0xE, v8;
	v8 =	vand.u32 $0xE, v6;
	v6 =	vld [tilespmem:s9+$0xFFFFFFE0]  }
0x22: {  	v4 =	vand.u32 $0xE, v4  }
0x23: {  	[tilespmem:s0+$0xFFFFFFF0] =	vst v4  }
0x24: {  	[tilespmem:s8+$0x0] =	vst v7;
	v4 =	vmul.u32 $0xE, v9  }
0x25: {  	s15 =	simm.s32 $0x6A0;
	s9 =	simm.s32 $0xA0;
	s8 =	simm.s32 $0x4;
	v7 =	vshra.s32 v5, $0x4;
	[tilespmem:s0+$0x0] =	vst v8;
	v3 =	vmul.u32 $0xE, v3  }
.LBB2_2:
0x26: {  	v8 =	vld [tilespmem:s9+$0x10];
	v6 =	vmul.u32 $0xE, v6;
	v9 =	vshra.s32 v4, $0x4;
	[tilespmem:s15+$0x10] =	vst v7;
	v5 =	vand.u32 $0xE, v5;
	s0 =	sadd.s32 $0x40, s0  }
0x27: {  	s8 =	sadd.s32 $0x4, s8;
	v4 =	vand.u32 $0xE, v4;
	v7 =	vld [tilespmem:s9+$0xFFFFFFF0];
	v10 =	vshra.s32 v3, $0x4;
	v11 =	vand.u32 $0xE, v3;
	[tilespmem:s0+$0x10] =	vst v5  }
0x28: {  	p0 =	slt.u32 s8, $0x2C;
	v3 =	vld [tilespmem:s9+$0x0];
	v5 =	vshra.s32 v6, $0x4;
	v12 =	vand.u32 $0xE, v6;
	[tilespmem:s15+$0xFFFFFFF0] =	vst v9  }
.Ltmp0:
0x29: {  	v6 =	vld [tilespmem:s9+$0xFFFFFFE0];
	[tilespmem:s15+$0xFFFFFFE0] =	vst v5;
	(pc) =	sbr.rel @p0 .LBB2_2-.Ltmp0, $4  }
0x2a: {  	[tilespmem:s0+$0xFFFFFFE0] =	vst v12  }
0x2b: {  	v5 =	vmul.u32 $0xE, v8;
	[tilespmem:s0+$0xFFFFFFF0] =	vst v4  }
0x2c: {  	v4 =	vmul.u32 $0xE, v7;
	[tilespmem:s15+$0x0] =	vst v10  }
0x2d: {  	s9 =	sadd.s32 $0x40, s9;
	s15 =	sadd.s32 $0x40, s15;
	v3 =	vmul.u32 $0xE, v3;
	v7 =	vshra.s32 v5, $0x4;
	[tilespmem:s0+$0x0] =	vst v11  }
0x2e: {  	[tilespmem:s15+$0x10] =	vst v7;
	v5 =	vand.u32 $0xE, v5;
	s8 =	sadd.s32 $0x40, s0  }
0x2f: {  	v60 =	vshra.s32 v4, $0x4;
	[tilespmem:s8+$0x10] =	vst v5  }
0x30: {  	v6 =	vmul.u32 $0xE, v6;
	v62 =	vand.u32 $0xE, v4;
	[tilespmem:s15+$0xFFFFFFF0] =	vst v60  }
0x31: {  	v63 =	vshra.s32 v3, $0x4;
	[tilespmem:s8+$0xFFFFFFF0] =	vst v62  }
0x32: {  	v61 =	vshra.s32 v6, $0x4;
	[tilespmem:s15+$0x0] =	vst v63  }
0x33: {  	v3 =	vand.u32 $0xE, v3;
	[tilespmem:s15+$0xFFFFFFE0] =	vst v61  }
0x34: {  	v6 =	vand.u32 $0xE, v6;
	[tilespmem:s8+$0x0] =	vst v3  }
0x35: {  	s0 =	simm.s32 $0x0;
	[tilespmem:s8+$0xFFFFFFE0] =	vst v6;
	s8 =	simm.s32 $0x0  }
.LBB2_4:
0x36: {  	s9 =	sshra.s32 s8, $0x2  }
0x37: {  	v3 =	vld [tilespmem:s9+$0x300];
	_ =	sdelay $0x3  }
0x38: {  	p0 =	sne.s32 s8, $0x40  }
.Ltmp1:
0x39: {  	v3 =	vmul.u32 $0xE, v3;
	(pc) =	sbr.rel @p0 .LBB2_4-.Ltmp1, $4  }
0x3a: {  	_ = 	snop  }
0x3b: {  	v4 =	vshra.s32 v3, $0x4  }
0x3c: {  	v3 =	vand.u32 $0xE, v3;
	[tilespmem:s9+$0x940] =	vst v4  }
0x3d: {  	s8 =	sadd.s32 $0x40, s8;
	[tilespmem:s9+$0xF80] =	vst v3  }
0x3e: {  	s8 =	simm.s32 $0x30  }
0x3f: {  	s9 =	simm.s32 $0x10;
	v3 =	vor.u32 s8, v0  }
0x40: {  	v4 =	vor.u32 s9, v0;
	v3 =	vshrl.u32 v3, $0x1  }
0x41: {  	v4 =	vshrl.u32 v4, $0x1  }
0x42: {  	s15 =	simm.s32 $0x20;
	v6 =	vor.u32 s0, v0  }
0x43: {  	s17 =	simm.s32 $0x70;
	v5 =	vor.u32 s15, v0;
	v6 =	vshrl.u32 v6, $0x1  }
0x44: {  	[dreg:$0x6] =	wrdreg s1;
	v7 =	vor.u32 s17, v0;
	v5 =	vshrl.u32 v5, $0x1  }
0x45: {  	s19 =	simm.s32 $0x50;
	v7 =	vshrl.u32 v7, $0x1;
	v3 =	vld.idx.msk [tilespmem:v3+s14+$0x0], $0xffff  }
0x46: {  	s20 =	simm.s32 $0x60;
	v9 =	vor.u32 s19, v0;
	v4 =	vld.idx.msk [tilespmem:v4+s14+$0x0], $0xffff  }
0x47: {  	s18 =	simm.s32 $0x40;
	v10 =	vor.u32 s20, v0;
	v12 =	vshrl.u32 v9, $0x1  }
0x48: {  	v8 =	vor.u32 s18, v0;
	v10 =	vshrl.u32 v10, $0x1;
	v6 =	vld.idx.msk [tilespmem:v6+s14+$0x0], $0xffff  }
0x49: {  	s21 =	simm.s32 $0x80;
	s25 =	simm.s32 $0xB0;
	v13 =	vshrl.u32 v8, $0x1;
	v11 =	vld.idx.msk [tilespmem:v5+s14+$0x0], $0xffff  }
0x4a: {  	v8 =	vor.u32 s21, v0;
	v15 =	vld.idx.msk [tilespmem:v7+s14+$0x0], $0xffff;
	v7 =	vor.u32 s25, v0;
	v3 =	vadd.s32 v1, v3  }
0x4b: {  	s22 =	simm.s32 $0x90;
	v9 =	vshrl.u32 v7, $0x1;
	v14 =	vadd.s32 v1, v4;
	vm1 =	vlt.s32 v3, $0xD59F7  }
0x4c: {  	s26 =	simm.s32 $0xA0;
	v4 =	vor.u32 s22, v0;
	v16 =	vnsel vm1, $0xD59F7, v3;
	v3 =	vshrl.u32 v8, $0x1;
	v8 =	vld.idx.msk [tilespmem:v12+s14+$0x0], $0xffff  }
0x4d: {  	v17 =	vadd.s32 v1, v6;
	v6 =	vld.idx.msk [tilespmem:v10+s14+$0x0], $0xffff;
	v5 =	vshrl.u32 v4, $0x1;
	v4 =	vor.u32 s26, v0  }
0x4e: {  	s0 =	simm.s32 $0x1920;
	v7 =	vld.idx.msk [tilespmem:v13+s14+$0x0], $0xffff;
	v11 =	vadd.s32 v1, v11;
	v4 =	vshrl.u32 v4, $0x1;
	vm1 =	vlt.s32 v14, $0xD59F7  }
0x4f: {  	vm3 =	vlt.s32 v17, $0xD59F7;
	vm2 =	vlt.s32 v11, $0xD59F7;
	[tilespmem:s0+$0x10] =	vst v16;
	v14 =	vnsel vm1, $0xD59F7, v14  }
0x50: {  	s8 =	simm.s32 $0x8;
	s15 =	simm.s32 $0xC0;
	v10 =	vadd.s32 v1, v15;
	v12 =	vnsel vm2, $0xD59F7, v11;
	v11 =	vnsel vm3, $0xD59F7, v17;
	[tilespmem:s0+$0xFFFFFFF0] =	vst v14  }
.LBB2_6:
0x51: {  	v13 =	vor.u32 s15, v0;
	s9 =	sadd.s32 $0x10, s15;
	s11 =	sadd.s32 $0x30, s15;
	s8 =	sadd.s32 $0x4, s8;
	v14 =	vld.idx.msk [tilespmem:v9+s14+$0x0], $0xffff;
	v15 =	vadd.s32 v1, v8;
	vm1 =	vlt.s32 v10, $0xD59F7;
	[tilespmem:s0+$0x0] =	vst v12  }
0x52: {  	v9 =	vor.u32 s9, v0;
	s9 =	sadd.s32 $0x20, s15;
	v12 =	vor.u32 s11, v0;
	p0 =	slt.u32 s8, $0x60;
	v8 =	vld.idx.msk [tilespmem:v5+s14+$0x0], $0xffff;
	v2 =	vnsel vm1, $0xD59F7, v10;
	[tilespmem:s0+$0xFFFFFFE0] =	vst v11;
	s0 =	sadd.s32 $0x40, s0;
	v11 =	vmovc v6  }
.Ltmp2:
0x53: {  	v10 =	vmovc v7;
	v5 =	vshrl.u32 v9, $0x1;
	v16 =	vor.u32 s9, v0;
	v9 =	vshrl.u32 v12, $0x1;
	v6 =	vld.idx.msk [tilespmem:v4+s14+$0x0], $0xffff;
	[tilespmem:s0+$0x10] =	vst v2;
	(pc) =	sbr.rel @p0 .LBB2_6-.Ltmp2, $4  }
0x54: {  	v11 =	vadd.s32 v1, v11;
	v4 =	vshrl.u32 v16, $0x1;
	v7 =	vld.idx.msk [tilespmem:v3+s14+$0x0], $0xffff;
	v3 =	vshrl.u32 v13, $0x1  }
0x55: {  	vm1 =	vlt.s32 v15, $0xD59F7;
	v13 =	vadd.s32 v1, v10;
	vm2 =	vlt.s32 v11, $0xD59F7  }
0x56: {  	v15 =	vnsel vm1, $0xD59F7, v15;
	vm3 =	vlt.s32 v13, $0xD59F7;
	v12 =	vnsel vm2, $0xD59F7, v11  }
0x57: {  	s15 =	sadd.s32 $0x40, s15;
	v10 =	vadd.s32 v1, v14;
	v11 =	vnsel vm3, $0xD59F7, v13;
	[tilespmem:s0+$0xFFFFFFF0] =	vst v15  }
0x58: {  	_ =	sdelay $0x3  }
0x59: {  	v9 =	vld.idx.msk [tilespmem:v9+s14+$0x0], $0xffff  }
0x5a: {  	v4 =	vld.idx.msk [tilespmem:v4+s14+$0x0], $0xffff  }
0x5b: {  	v5 =	vld.idx.msk [tilespmem:v5+s14+$0x0], $0xffff;
	v8 =	vadd.s32 v1, v8;
	vm1 =	vlt.s32 v10, $0xD59F7;
	[tilespmem:s0+$0x0] =	vst v12  }
0x5c: {  	[tilespmem:s0+$0xFFFFFFE0] =	vst v11;
	s1 =	sadd.s32 $0x40, s0;
	v3 =	vld.idx.msk [tilespmem:v3+s14+$0x0], $0xffff;
	v6 =	vadd.s32 v1, v6;
	v10 =	vnsel vm1, $0xD59F7, v10;
	vm1 =	vlt.s32 v8, $0xD59F7  }
0x5d: {  	v7 =	vadd.s32 v1, v7;
	vm2 =	vlt.s32 v6, $0xD59F7;
	[tilespmem:s1+$0x10] =	vst v10;
	v8 =	vnsel vm1, $0xD59F7, v8  }
0x5e: {  	vm1 =	vlt.s32 v7, $0xD59F7;
	v6 =	vnsel vm2, $0xD59F7, v6;
	[tilespmem:s1+$0xFFFFFFF0] =	vst v8;
	v9 =	vadd.s32 v1, v9  }
0x5f: {  	v7 =	vnsel vm1, $0xD59F7, v7;
	[tilespmem:s1+$0x0] =	vst v6;
	v4 =	vadd.s32 v1, v4;
	vm1 =	vlt.s32 v9, $0xD59F7  }
0x60: {  	s0 =	sadd.s32 $0x40, s1;
	[tilespmem:s1+$0xFFFFFFE0] =	vst v7;
	v5 =	vadd.s32 v1, v5;
	vm2 =	vlt.s32 v4, $0xD59F7;
	v63 =	vnsel vm1, $0xD59F7, v9  }
0x61: {  	v3 =	vadd.s32 v1, v3;
	vm1 =	vlt.s32 v5, $0xD59F7;
	v4 =	vnsel vm2, $0xD59F7, v4;
	[tilespmem:s0+$0x10] =	vst v63  }
0x62: {  	v5 =	vnsel vm1, $0xD59F7, v5;
	vm1 =	vlt.s32 v3, $0xD59F7;
	[tilespmem:s0+$0x0] =	vst v4  }
0x63: {  	[tilespmem:s0+$0xFFFFFFF0] =	vst v5;
	v3 =	vnsel vm1, $0xD59F7, v3  }
0x64: {  	s8 =	simm.s32 $0x1900;
	[tilespmem:s0+$0xFFFFFFE0] =	vst v3  }
0x65: {  	[tilespmem:s16], [sflag:$0x1] =	stream.indirect.gather [hbm4b:s5+s24], $0x10, s8, s24, $0xb8;
	[tilespmem:$0x15180] =	vst v63  }
0x66: {  	s9 =	simm.s32 $0x1980;
	s1 =	simm.s32 $0x2D80  }
0x67: {  	[tilespmem:s1], [sflag:$0x1] =	stream.indirect.gather [hbm4b:s5+s24], $0x10, s9, s24, $0xb8;
	[tilespmem:$0x15180] =	vst v63  }
0x68: {  	s11 =	simm.s32 $0x1A00;
	s15 =	simm.s32 $0x3580  }
0x69: {  	[tilespmem:s15], [sflag:$0x1] =	stream.indirect.gather [hbm4b:s5+s24], $0x10, s11, s24, $0xb8;
	[tilespmem:$0x15180] =	vst v63  }
0x6a: {  	s17 =	simm.s32 $0x1A80;
	s18 =	simm.s32 $0x3D80  }
0x6b: {  	[tilespmem:s18], [sflag:$0x1] =	stream.indirect.gather [hbm4b:s5+s24], $0x10, s17, s24, $0xb8;
	[tilespmem:$0x15180] =	vst v63  }
0x6c: {  	s19 =	simm.s32 $0x1B00;
	s20 =	simm.s32 $0x4580  }
0x6d: {  	[tilespmem:s20], [sflag:$0x1] =	stream.indirect.gather [hbm4b:s5+s24], $0x10, s19, s24, $0xb8;
	[tilespmem:$0x15180] =	vst v63  }
0x6e: {  	s21 =	simm.s32 $0x1B80;
	s22 =	simm.s32 $0x4D80  }
0x6f: {  	[tilespmem:s22], [sflag:$0x1] =	stream.indirect.gather [hbm4b:s5+s24], $0x10, s21, s24, $0xb8;
	[tilespmem:$0x15180] =	vst v63  }
0x70: {  	s25 =	simm.s32 $0x1C00;
	s26 =	simm.s32 $0x5580  }
0x71: {  	[tilespmem:s26], [sflag:$0x1] =	stream.indirect.gather [hbm4b:s5+s24], $0x10, s25, s24, $0xb8;
	[tilespmem:$0x15180] =	vst v63  }
0x72: {  	s8 =	simm.s32 $0x1C80;
	s9 =	simm.s32 $0x5D80  }
0x73: {  	[tilespmem:s9], [sflag:$0x1] =	stream.indirect.gather [hbm4b:s5+s24], $0x10, s8, s24, $0xb8;
	[tilespmem:$0x15180] =	vst v63  }
0x74: {  	s11 =	simm.s32 $0x1D00;
	s15 =	simm.s32 $0x6580  }
0x75: {  	[tilespmem:s15], [sflag:$0x1] =	stream.indirect.gather [hbm4b:s5+s24], $0x10, s11, s24, $0xb8;
	[tilespmem:$0x15180] =	vst v63  }
0x76: {  	s17 =	simm.s32 $0x1D80;
	s18 =	simm.s32 $0x6D80  }
0x77: {  	[tilespmem:s18], [sflag:$0x1] =	stream.indirect.gather [hbm4b:s5+s24], $0x10, s17, s24, $0xb8;
	[tilespmem:$0x15180] =	vst v63  }
0x78: {  	s19 =	simm.s32 $0x1E00;
	s20 =	simm.s32 $0x7580  }
0x79: {  	[tilespmem:s20], [sflag:$0x1] =	stream.indirect.gather [hbm4b:s5+s24], $0x10, s19, s24, $0xb8;
	[tilespmem:$0x15180] =	vst v63  }
0x7a: {  	p0 =	por $0x1, $0x1;
	s21 =	simm.s32 $0x1E80;
	s22 =	simm.s32 $0x7D80  }
0x7b: {  	[tilespmem:s22], [sflag:$0x1] =	stream.indirect.gather [hbm4b:s5+s24], $0x10, s21, s24, $0xb8;
	[tilespmem:$0x15180] =	vst v63  }
0x7c: {  	s0 =	simm.s32 $0x0;
	s25 =	simm.s32 $0x1F00;
	s26 =	simm.s32 $0x8580  }
0x7d: {  	[tilespmem:s26], [sflag:$0x1] =	stream.indirect.gather [hbm4b:s5+s23], $0x10, s25, s23, $0xb8;
	[tilespmem:$0x15180] =	vst v63  }
.LBB2_8:
0x7e: {  	p1 =	seq.s32 s0, $0x1F  }
.Ltmp3:
0x7f: {  	_ = 	snop;
	(pc) =	sbr.rel @p1 .LBB2_16-.Ltmp3, $2  }
0x80: {  	_ =	sdelay $0x2  }
0x81: {  	s17 =	sand.u32 $0x1, s0;
	s15 =	sadd.s32 $0x1, s0  }
0x82: {  	s8 =	smul.u32 $0x320, s15;
	_ =	sdelay $0x1  }
0x83: {  	s18 =	sxor.u32 $0x1, s17;
	s8 =	sadd.s32 s4, s8  }
0x84: {  	s20 =	smul.u32 $0x320, s18;
	s8 =	sshrl.u32 s8, $0x3  }
0x85: {  	s9 =	simm.s32 $0x1;
	s11 =	sadd.s32 s6, s8  }
0x86: {  	[tilespmem:s20], [sflag:$0x3] =	stream.linear.gather [hbm4b:s11+s3], $0x320, $0x38;
	[tilespmem:$0x15180] =	vst v63  }
0x87: {  	s9 =	simm.s32 @!p0 $0x0;
	_ =	swait.ge [sflag:s12], $0x320  }
0x88: {  	s22 =	smul.u32 $0xC80, s9;
	[sflag:s12] =	ssyncset.done $0x0  }
0x89: {  	s19 =	sadd.s32 $0x12C0, s20;
	s8 =	sadd.s32 s7, s8;
	[sflag:s12] =	ssyncadd.s32 $0xFFFFFCE0  }
0x8a: {  	[tilespmem:s19], [sflag:$0x3] =	stream.linear.gather [hbm4b:s8+s3], $0x320, $0x38;
	[tilespmem:$0x15180] =	vst v63  }
0x8b: {  	_ =	swait.ge [sflag:s12], $0x320  }
0x8c: {  	s25 =	sshrl.u32 s22, $0x2;
	[sflag:s12] =	ssyncset.done $0x0  }
0x8d: {  	s11 =	sadd.s32 $0x20, s25;
	[sflag:s12] =	ssyncadd.s32 $0xFFFFFCE0  }
0x8e: {  	v3 =	vld [tilespmem:s11+$0x10]  }
0x8f: {  	v5 =	vld [tilespmem:s11+$0xFFFFFFE0];
	_ =	sdelay $0x1  }
0x90: {  	v4 =	vld [tilespmem:s11+$0xFFFFFFF0];
	_ =	sdelay $0x1  }
0x91: {  	v6 =	vld [tilespmem:s11+$0x0];
	v3 =	vmul.u32 $0xE, v3  }
0x92: {  	s11 =	sadd.s32 $0x40, s11;
	v5 =	vmul.u32 $0xE, v5  }
0x93: {  	s1 =	sadd.s32 $0x660, s25;
	v8 =	vld [tilespmem:s11+$0x10];
	v7 =	vshra.s32 v3, $0x4  }
0x94: {  	v4 =	vmul.u32 $0xE, v4;
	v10 =	vshra.s32 v5, $0x4;
	[tilespmem:s1+$0x10] =	vst v7  }
0x95: {  	s26 =	sadd.s32 $0xCA0, s25;
	v3 =	vand.u32 $0xE, v3;
	[tilespmem:s1+$0xFFFFFFE0] =	vst v10  }
0x96: {  	v9 =	vld [tilespmem:s11+$0xFFFFFFF0];
	v6 =	vmul.u32 $0xE, v6;
	v7 =	vshra.s32 v4, $0x4;
	[tilespmem:s26+$0x10] =	vst v3  }
0x97: {  	v5 =	vand.u32 $0xE, v5;
	v3 =	vld [tilespmem:s11+$0x0];
	[tilespmem:s1+$0xFFFFFFF0] =	vst v7  }
0x98: {  	s9 =	smul.u32 $0x1900, s9;
	[tilespmem:s26+$0xFFFFFFE0] =	vst v5;
	v7 =	vshra.s32 v6, $0x4;
	v5 =	vmul.u32 $0xE, v8;
	v8 =	vand.u32 $0xE, v6;
	v6 =	vld [tilespmem:s11+$0xFFFFFFE0]  }
0x99: {  	v4 =	vand.u32 $0xE, v4  }
0x9a: {  	s9 =	sshrl.u32 s9, $0x2;
	s21 =	sadd.s32 $0x300, s25;
	[tilespmem:s26+$0xFFFFFFF0] =	vst v4  }
0x9b: {  	s22 =	sadd.s32 $0x940, s25;
	s25 =	sadd.s32 $0xF80, s25;
	s19 =	sadd.s32 $0x1920, s9;
	[tilespmem:s1+$0x0] =	vst v7;
	v4 =	vmul.u32 $0xE, v9  }
0x9c: {  	s9 =	simm.s32 $0x4;
	s8 =	sadd.s32 $0x40, s1;
	s11 =	sadd.s32 $0x40, s11;
	v7 =	vshra.s32 v5, $0x4;
	[tilespmem:s26+$0x0] =	vst v8;
	v3 =	vmul.u32 $0xE, v3  }
.LBB2_10:
0x9d: {  	v8 =	vld [tilespmem:s11+$0x10];
	v6 =	vmul.u32 $0xE, v6;
	v9 =	vshra.s32 v4, $0x4;
	[tilespmem:s8+$0x10] =	vst v7;
	v5 =	vand.u32 $0xE, v5;
	s26 =	sadd.s32 $0x40, s26  }
0x9e: {  	s9 =	sadd.s32 $0x4, s9;
	v4 =	vand.u32 $0xE, v4;
	v7 =	vld [tilespmem:s11+$0xFFFFFFF0];
	v10 =	vshra.s32 v3, $0x4;
	v11 =	vand.u32 $0xE, v3;
	[tilespmem:s26+$0x10] =	vst v5  }
0x9f: {  	p1 =	slt.u32 s9, $0x2C;
	v3 =	vld [tilespmem:s11+$0x0];
	v5 =	vshra.s32 v6, $0x4;
	v12 =	vand.u32 $0xE, v6;
	[tilespmem:s8+$0xFFFFFFF0] =	vst v9  }
.Ltmp4:
0xa0: {  	v6 =	vld [tilespmem:s11+$0xFFFFFFE0];
	[tilespmem:s8+$0xFFFFFFE0] =	vst v5;
	(pc) =	sbr.rel @p1 .LBB2_10-.Ltmp4, $4  }
0xa1: {  	[tilespmem:s26+$0xFFFFFFE0] =	vst v12  }
0xa2: {  	v5 =	vmul.u32 $0xE, v8;
	[tilespmem:s26+$0xFFFFFFF0] =	vst v4  }
0xa3: {  	v4 =	vmul.u32 $0xE, v7;
	[tilespmem:s8+$0x0] =	vst v10  }
0xa4: {  	s11 =	sadd.s32 $0x40, s11;
	s8 =	sadd.s32 $0x40, s8;
	v3 =	vmul.u32 $0xE, v3;
	v7 =	vshra.s32 v5, $0x4;
	[tilespmem:s26+$0x0] =	vst v11  }
0xa5: {  	[tilespmem:s8+$0x10] =	vst v7;
	v5 =	vand.u32 $0xE, v5;
	s1 =	sadd.s32 $0x40, s26  }
0xa6: {  	v60 =	vshra.s32 v4, $0x4;
	[tilespmem:s1+$0x10] =	vst v5  }
0xa7: {  	v6 =	vmul.u32 $0xE, v6;
	v62 =	vand.u32 $0xE, v4;
	[tilespmem:s8+$0xFFFFFFF0] =	vst v60  }
0xa8: {  	v63 =	vshra.s32 v3, $0x4;
	[tilespmem:s1+$0xFFFFFFF0] =	vst v62  }
0xa9: {  	v61 =	vshra.s32 v6, $0x4;
	[tilespmem:s8+$0x0] =	vst v63  }
0xaa: {  	v3 =	vand.u32 $0xE, v3;
	[tilespmem:s8+$0xFFFFFFE0] =	vst v61  }
0xab: {  	v6 =	vand.u32 $0xE, v6;
	[tilespmem:s1+$0x0] =	vst v3  }
0xac: {  	s8 =	simm.s32 $0x0;
	[tilespmem:s1+$0xFFFFFFE0] =	vst v6  }
.LBB2_12:
0xad: {  	s1 =	sshra.s32 s8, $0x2  }
0xae: {  	s9 =	sadd.s32 s1, s21  }
0xaf: {  	v3 =	vld [tilespmem:s9+$0x0];
	_ =	sdelay $0x3  }
0xb0: {  	p1 =	seq.s32 s8, $0x40  }
.Ltmp5:
0xb1: {  	v3 =	vmul.u32 $0xE, v3;
	(pc) =	sbr.rel @!p1 .LBB2_12-.Ltmp5, $4  }
0xb2: {  	_ = 	snop  }
0xb3: {  	s26 =	sadd.s32 s1, s22;
	v4 =	vshra.s32 v3, $0x4  }
0xb4: {  	s1 =	sadd.s32 s1, s25;
	v3 =	vand.u32 $0xE, v3;
	[tilespmem:s26+$0x0] =	vst v4  }
0xb5: {  	s8 =	sadd.s32 $0x40, s8;
	[tilespmem:s1+$0x0] =	vst v3  }
0xb6: {  	s1 =	simm.s32 $0x30  }
0xb7: {  	s26 =	simm.s32 $0x20;
	v4 =	vor.u32 s1, v0  }
0xb8: {  	v3 =	vmov s20;
	s8 =	simm.s32 $0x0;
	v6 =	vor.u32 s26, v0;
	v4 =	vshrl.u32 v4, $0x1  }
0xb9: {  	s9 =	simm.s32 $0x10;
	v7 =	vor.u32 s8, v0;
	v6 =	vshrl.u32 v6, $0x1;
	v4 =	vadd.s32 v3, v4  }
0xba: {  	v5 =	vor.u32 s9, v0;
	s8 =	simm.s32 $0x70;
	v7 =	vshrl.u32 v7, $0x1;
	v6 =	vadd.s32 v3, v6  }
0xbb: {  	s9 =	simm.s32 $0x50;
	v5 =	vshrl.u32 v5, $0x1;
	v8 =	vor.u32 s8, v0;
	v7 =	vadd.s32 v3, v7  }
0xbc: {  	v9 =	vor.u32 s9, v0;
	v5 =	vadd.s32 v3, v5;
	v8 =	vshrl.u32 v8, $0x1  }
0xbd: {  	v9 =	vshrl.u32 v9, $0x1;
	v8 =	vadd.s32 v3, v8  }
0xbe: {  	v9 =	vadd.s32 v3, v9;
	v4 =	vld.idx.msk [tilespmem:v4+s14+$0x0], $0xffff  }
0xbf: {  	s20 =	simm.s32 $0x60;
	v6 =	vld.idx.msk [tilespmem:v6+s14+$0x0], $0xffff  }
0xc0: {  	s11 =	simm.s32 $0x40;
	v11 =	vor.u32 s20, v0;
	v7 =	vld.idx.msk [tilespmem:v7+s14+$0x0], $0xffff  }
0xc1: {  	v10 =	vor.u32 s11, v0;
	s26 =	simm.s32 $0xA0;
	v11 =	vshrl.u32 v11, $0x1;
	v5 =	vld.idx.msk [tilespmem:v5+s14+$0x0], $0xffff  }
0xc2: {  	s21 =	simm.s32 $0x80;
	v10 =	vshrl.u32 v10, $0x1;
	v11 =	vadd.s32 v3, v11;
	v15 =	vld.idx.msk [tilespmem:v8+s14+$0x0], $0xffff;
	v8 =	vor.u32 s26, v0  }
0xc3: {  	s22 =	simm.s32 $0xB0;
	v14 =	vadd.s32 v3, v10;
	v10 =	vor.u32 s21, v0;
	v17 =	vld.idx.msk [tilespmem:v9+s14+$0x0], $0xffff;
	v9 =	vshrl.u32 v8, $0x1  }
0xc4: {  	s25 =	simm.s32 $0x90;
	v4 =	vadd.s32 v1, v4;
	v13 =	vadd.s32 v1, v6;
	v6 =	vor.u32 s22, v0  }
0xc5: {  	v16 =	vadd.s32 v1, v7;
	v7 =	vor.u32 s25, v0;
	vm1 =	vlt.s32 v4, $0xD59F7  }
0xc6: {  	v6 =	vshrl.u32 v6, $0x1;
	v7 =	vshrl.u32 v7, $0x1;
	v12 =	vnsel vm1, $0xD59F7, v4  }
0xc7: {  	v4 =	vshrl.u32 v10, $0x1;
	v10 =	vadd.s32 v3, v6;
	v6 =	vadd.s32 v3, v9;
	v9 =	vld.idx.msk [tilespmem:v11+s14+$0x0], $0xffff  }
0xc8: {  	v5 =	vadd.s32 v1, v5;
	vm3 =	vlt.s32 v13, $0xD59F7;
	v8 =	vadd.s32 v3, v7;
	v7 =	vld.idx.msk [tilespmem:v14+s14+$0x0], $0xffff  }
0xc9: {  	vm2 =	vlt.s32 v16, $0xD59F7;
	vm1 =	vlt.s32 v5, $0xD59F7;
	v13 =	vnsel vm3, $0xD59F7, v13  }
0xca: {  	v4 =	vadd.s32 v3, v4;
	[tilespmem:s19+$0x10] =	vst v12;
	v12 =	vadd.s32 v1, v15;
	v15 =	vnsel vm1, $0xD59F7, v5  }
0xcb: {  	s20 =	simm.s32 $0x8;
	s8 =	smov.u32 s19;
	s21 =	simm.s32 $0xC0;
	v11 =	vnsel vm2, $0xD59F7, v16;
	v5 =	vadd.s32 v1, v17;
	vm1 =	vlt.s32 v12, $0xD59F7;
	[tilespmem:s19+$0xFFFFFFF0] =	vst v15  }
.LBB2_14:
0xcc: {  	v14 =	vor.u32 s21, v0;
	s1 =	sadd.s32 $0x30, s21;
	s20 =	sadd.s32 $0x4, s20;
	v15 =	vld.idx.msk [tilespmem:v10+s14+$0x0], $0xffff;
	v16 =	vadd.s32 v1, v9;
	v9 =	vnsel vm1, $0xD59F7, v12;
	[tilespmem:s19+$0x0] =	vst v13;
	s8 =	sadd.s32 $0x40, s8  }
0xcd: {  	s9 =	sadd.s32 $0x10, s21;
	s11 =	sadd.s32 $0x20, s21;
	v17 =	vadd.s32 v1, v7;
	v12 =	vshrl.u32 v14, $0x1;
	v10 =	vor.u32 s1, v0;
	p1 =	slt.u32 s20, $0x60;
	v14 =	vld.idx.msk [tilespmem:v8+s14+$0x0], $0xffff;
	[tilespmem:s8+$0x10] =	vst v9  }
0xce: {  	v7 =	vor.u32 s9, v0;
	v8 =	vor.u32 s11, v0;
	v10 =	vshrl.u32 v10, $0x1;
	v9 =	vld.idx.msk [tilespmem:v6+s14+$0x0], $0xffff;
	[tilespmem:s19+$0xFFFFFFE0] =	vst v11;
	s19 =	smov.u32 s8  }
.Ltmp6:
0xcf: {  	v6 =	vshrl.u32 v7, $0x1;
	v11 =	vshrl.u32 v8, $0x1;
	v10 =	vadd.s32 v3, v10;
	v7 =	vld.idx.msk [tilespmem:v4+s14+$0x0], $0xffff;
	(pc) =	sbr.rel @p1 .LBB2_14-.Ltmp6, $4  }
0xd0: {  	v4 =	vadd.s32 v3, v12;
	v8 =	vadd.s32 v3, v6;
	v6 =	vadd.s32 v3, v11  }
0xd1: {  	vm1 =	vlt.s32 v5, $0xD59F7;
	vm2 =	vlt.s32 v17, $0xD59F7;
	vm3 =	vlt.s32 v16, $0xD59F7  }
0xd2: {  	v13 =	vnsel vm3, $0xD59F7, v16;
	v12 =	vadd.s32 v1, v15;
	v15 =	vnsel vm1, $0xD59F7, v5  }
0xd3: {  	s21 =	sadd.s32 $0x40, s21;
	v11 =	vnsel vm2, $0xD59F7, v17;
	v5 =	vadd.s32 v1, v14;
	vm1 =	vlt.s32 v12, $0xD59F7;
	[tilespmem:s8+$0xFFFFFFF0] =	vst v15  }
0xd4: {  	_ =	sdelay $0x3  }
0xd5: {  	v3 =	vld.idx.msk [tilespmem:v10+s14+$0x0], $0xffff  }
0xd6: {  	v6 =	vld.idx.msk [tilespmem:v6+s14+$0x0], $0xffff  }
0xd7: {  	v8 =	vld.idx.msk [tilespmem:v8+s14+$0x0], $0xffff;
	[tilespmem:s19+$0x0] =	vst v13  }
0xd8: {  	v60 =	vnsel vm1, $0xD59F7, v12;
	s1 =	sadd.s32 $0x40, s8;
	v9 =	vadd.s32 v1, v9;
	v4 =	vld.idx.msk [tilespmem:v4+s14+$0x0], $0xffff;
	vm1 =	vlt.s32 v5, $0xD59F7;
	[tilespmem:s19+$0xFFFFFFE0] =	vst v11  }
0xd9: {  	v7 =	vadd.s32 v1, v7;
	[tilespmem:s1+$0x10] =	vst v60;
	vm2 =	vlt.s32 v9, $0xD59F7;
	v5 =	vnsel vm1, $0xD59F7, v5  }
0xda: {  	v9 =	vnsel vm2, $0xD59F7, v9;
	[tilespmem:s1+$0xFFFFFFF0] =	vst v5;
	vm2 =	vlt.s32 v7, $0xD59F7;
	v3 =	vadd.s32 v1, v3  }
0xdb: {  	[tilespmem:s1+$0x0] =	vst v9;
	v7 =	vnsel vm2, $0xD59F7, v7;
	v6 =	vadd.s32 v1, v6;
	vm1 =	vlt.s32 v3, $0xD59F7  }
0xdc: {  	s8 =	sadd.s32 $0x40, s1;
	[tilespmem:s1+$0xFFFFFFE0] =	vst v7;
	v61 =	vadd.s32 v1, v8;
	vm2 =	vlt.s32 v6, $0xD59F7;
	v3 =	vnsel vm1, $0xD59F7, v3  }
0xdd: {  	vm1 =	vlt.s32 v61, $0xD59F7;
	v63 =	vnsel vm2, $0xD59F7, v6;
	[tilespmem:s8+$0x10] =	vst v3;
	v3 =	vadd.s32 v1, v4  }
0xde: {  	v62 =	vnsel vm1, $0xD59F7, v61;
	[tilespmem:s8+$0x0] =	vst v63;
	vm1 =	vlt.s32 v3, $0xD59F7  }
0xdf: {  	p1 =	seq.s32 s0, $0x0;
	[tilespmem:s8+$0xFFFFFFF0] =	vst v62;
	v3 =	vnsel vm1, $0xD59F7, v3  }
0xe0: {  	s1 =	simm.s32 @!p1 $0x2;
	[tilespmem:s8+$0xFFFFFFE0] =	vst v3  }
0xe1: {  	_ =	swait.ge @!p1 [sflag:s1], $0xC80  }
0xe2: {  	[sflag:s1] =	ssyncset.done @!p1 $0x0  }
0xe3: {  	[sflag:s1] =	ssyncadd.s32 @!p1 $0xFFFFF380  }
0xe4: {  	_ =	swait.ge @!p1 [sflag:s1], $0xC80  }
0xe5: {  	[sflag:s1] =	ssyncset.done @!p1 $0x0  }
0xe6: {  	[sflag:s1] =	ssyncadd.s32 @!p1 $0xFFFFF380  }
0xe7: {  	_ =	swait.ge @!p1 [sflag:s1], $0xC80  }
0xe8: {  	s26 =	smul.u32 $0x19000, s18;
	[sflag:s1] =	ssyncset.done @!p1 $0x0  }
0xe9: {  	s9 =	smul.u32 $0x640, s18;
	[sflag:s1] =	ssyncadd.s32 @!p1 $0xFFFFF380  }
0xea: {  	_ =	swait.ge @!p1 [sflag:s1], $0xC80  }
0xeb: {  	s11 =	sadd.s32 $0x1900, s9;
	s8 =	sshrl.u32 s26, $0x2;
	[sflag:s1] =	ssyncset.done @!p1 $0x0  }
0xec: {  	s8 =	sadd.s32 $0x2580, s8;
	[sflag:s1] =	ssyncadd.s32 @!p1 $0xFFFFF380;
	s1 =	sshll.u32 s9, $0x4  }
0xed: {  	[tilespmem:s8], [sflag:$0x1] =	stream.indirect.gather [hbm4b:s5+s24], $0x10, s11, s24, $0xb8;
	[tilespmem:$0x15180] =	vst v63  }
0xee: {  	s18 =	sadd.s32 $0x2D80, s1;
	s11 =	sadd.s32 $0x1980, s9  }
0xef: {  	[tilespmem:s18], [sflag:$0x1] =	stream.indirect.gather [hbm4b:s5+s24], $0x10, s11, s24, $0xb8;
	[tilespmem:$0x15180] =	vst v63  }
0xf0: {  	s20 =	sadd.s32 $0x1A00, s9;
	s19 =	sadd.s32 $0x3580, s1  }
0xf1: {  	[tilespmem:s19], [sflag:$0x1] =	stream.indirect.gather [hbm4b:s5+s24], $0x10, s20, s24, $0xb8;
	[tilespmem:$0x15180] =	vst v63  }
0xf2: {  	s22 =	sadd.s32 $0x1A80, s9;
	s21 =	sadd.s32 $0x3D80, s1  }
0xf3: {  	[tilespmem:s21], [sflag:$0x1] =	stream.indirect.gather [hbm4b:s5+s24], $0x10, s22, s24, $0xb8;
	[tilespmem:$0x15180] =	vst v63  }
0xf4: {  	s26 =	sadd.s32 $0x1B00, s9;
	s25 =	sadd.s32 $0x4580, s1  }
0xf5: {  	[tilespmem:s25], [sflag:$0x1] =	stream.indirect.gather [hbm4b:s5+s24], $0x10, s26, s24, $0xb8;
	[tilespmem:$0x15180] =	vst v63  }
0xf6: {  	s11 =	sadd.s32 $0x4D80, s1;
	s18 =	sadd.s32 $0x1B80, s9  }
0xf7: {  	[tilespmem:s11], [sflag:$0x1] =	stream.indirect.gather [hbm4b:s5+s24], $0x10, s18, s24, $0xb8;
	[tilespmem:$0x15180] =	vst v63  }
0xf8: {  	s19 =	sadd.s32 $0x5580, s1;
	s20 =	sadd.s32 $0x1C00, s9  }
0xf9: {  	[tilespmem:s19], [sflag:$0x1] =	stream.indirect.gather [hbm4b:s5+s24], $0x10, s20, s24, $0xb8;
	[tilespmem:$0x15180] =	vst v63  }
0xfa: {  	s21 =	sadd.s32 $0x5D80, s1;
	s22 =	sadd.s32 $0x1C80, s9  }
0xfb: {  	[tilespmem:s21], [sflag:$0x1] =	stream.indirect.gather [hbm4b:s5+s24], $0x10, s22, s24, $0xb8;
	[tilespmem:$0x15180] =	vst v63  }
0xfc: {  	s25 =	sadd.s32 $0x6580, s1;
	s26 =	sadd.s32 $0x1D00, s9  }
0xfd: {  	[tilespmem:s25], [sflag:$0x1] =	stream.indirect.gather [hbm4b:s5+s24], $0x10, s26, s24, $0xb8;
	[tilespmem:$0x15180] =	vst v63  }
0xfe: {  	s18 =	sadd.s32 $0x6D80, s1;
	s19 =	sadd.s32 $0x1D80, s9  }
0xff: {  	[tilespmem:s18], [sflag:$0x1] =	stream.indirect.gather [hbm4b:s5+s24], $0x10, s19, s24, $0xb8;
	[tilespmem:$0x15180] =	vst v63  }
0x100: {  	s20 =	sadd.s32 $0x7580, s1;
	s21 =	sadd.s32 $0x1E00, s9  }
0x101: {  	[tilespmem:s20], [sflag:$0x1] =	stream.indirect.gather [hbm4b:s5+s24], $0x10, s21, s24, $0xb8;
	[tilespmem:$0x15180] =	vst v63  }
0x102: {  	s22 =	sadd.s32 $0x7D80, s1;
	s25 =	sadd.s32 $0x1E80, s9  }
0x103: {  	[tilespmem:s22], [sflag:$0x1] =	stream.indirect.gather [hbm4b:s5+s24], $0x10, s25, s24, $0xb8;
	[tilespmem:$0x15180] =	vst v63  }
0x104: {  	s1 =	sadd.s32 $0x8580, s1;
	s26 =	sadd.s32 $0x1F00, s9  }
0x105: {  	[tilespmem:s1], [sflag:$0x1] =	stream.indirect.gather [hbm4b:s5+s23], $0x10, s26, s23, $0xb8;
	[tilespmem:$0x15180] =	vst v63  }
.LBB2_16:
0x106: {  	_ =	swait.ge [sflag:s28], $0x800  }
0x107: {  	[sflag:s28] =	ssyncset.done $0x0  }
0x108: {  	[sflag:s28] =	ssyncadd.s32 $0xFFFFF800  }
0x109: {  	_ =	swait.ge [sflag:s28], $0x800  }
0x10a: {  	[sflag:s28] =	ssyncset.done $0x0  }
0x10b: {  	[sflag:s28] =	ssyncadd.s32 $0xFFFFF800  }
0x10c: {  	_ =	swait.ge [sflag:s28], $0x800  }
0x10d: {  	[sflag:s28] =	ssyncset.done $0x0  }
0x10e: {  	[sflag:s28] =	ssyncadd.s32 $0xFFFFF800  }
0x10f: {  	_ =	swait.ge [sflag:s28], $0x800  }
0x110: {  	[sflag:s28] =	ssyncset.done $0x0  }
0x111: {  	[sflag:s28] =	ssyncadd.s32 $0xFFFFF800  }
0x112: {  	_ =	swait.ge [sflag:s28], $0x800  }
0x113: {  	[sflag:s28] =	ssyncset.done $0x0  }
0x114: {  	[sflag:s28] =	ssyncadd.s32 $0xFFFFF800  }
0x115: {  	_ =	swait.ge [sflag:s28], $0x800  }
0x116: {  	[sflag:s28] =	ssyncset.done $0x0  }
0x117: {  	[sflag:s28] =	ssyncadd.s32 $0xFFFFF800  }
0x118: {  	_ =	swait.ge [sflag:s28], $0x800  }
0x119: {  	[sflag:s28] =	ssyncset.done $0x0  }
0x11a: {  	[sflag:s28] =	ssyncadd.s32 $0xFFFFF800  }
0x11b: {  	_ =	swait.ge [sflag:s28], $0x800  }
0x11c: {  	[sflag:s28] =	ssyncset.done $0x0  }
0x11d: {  	[sflag:s28] =	ssyncadd.s32 $0xFFFFF800  }
0x11e: {  	_ =	swait.ge [sflag:s28], $0x800  }
0x11f: {  	[sflag:s28] =	ssyncset.done $0x0  }
0x120: {  	[sflag:s28] =	ssyncadd.s32 $0xFFFFF800  }
0x121: {  	_ =	swait.ge [sflag:s28], $0x800  }
0x122: {  	[sflag:s28] =	ssyncset.done $0x0  }
0x123: {  	[sflag:s28] =	ssyncadd.s32 $0xFFFFF800  }
0x124: {  	_ =	swait.ge [sflag:s28], $0x800  }
0x125: {  	s1 =	smul.u32 $0x320, s17;
	[sflag:s28] =	ssyncset.done $0x0  }
0x126: {  	[sflag:s28] =	ssyncadd.s32 $0xFFFFF800  }
0x127: {  	s19 =	simm.s32 $0x0;
	v3 =	vmov s1;
	_ =	swait.ge [sflag:s28], $0x800  }
0x128: {  	v14 =	vadd.s32 s19, v3;
	[sflag:s28] =	ssyncset.done $0x0  }
0x129: {  	s18 =	simm.s32 $0x2;
	[sflag:s28] =	ssyncadd.s32 $0xFFFFF800  }
0x12a: {  	s1 =	simm.s32 $0x1;
	v15 =	vadd.s32 s18, v3;
	_ =	swait.ge [sflag:s28], $0x400  }
0x12b: {  	v16 =	vadd.s32 s1, v3;
	[sflag:s28] =	ssyncset.done $0x0  }
0x12c: {  	s8 =	smul.u32 $0x640, s17;
	s9 =	simm.s32 $0x3;
	v1 =	vld [tilespmem:$0x1FFE0];
	[sflag:s28] =	ssyncadd.s32 $0xFFFFFC00  }
0x12d: {  	s11 =	simm.s32 $0xF;
	v18 =	vadd.s32 s9, v3;
	v9 =	vld.idx.msk [tilespmem:v14+s29+$0x0], $0xffff  }
0x12e: {  	v4 =	vmov s8;
	v10 =	vadd.s32 s11, v3;
	v5 =	vld.idx.msk [tilespmem:v14+s13+$0x0], $0xffff  }
0x12f: {  	s26 =	simm.s32 $0x4;
	v6 =	vshll.u32 v4, $0x4;
	v4 =	vld.idx.msk [tilespmem:v15+s13+$0x0], $0xffff  }
0x130: {  	s21 =	simm.s32 $0xE;
	v12 =	vadd.s32 s26, v3;
	v11 =	vld.idx.msk [tilespmem:v16+s29+$0x0], $0xffff  }
0x131: {  	s20 =	simm.s32 $0x5;
	v17 =	vadd.s32 s21, v3;
	v7 =	vld.idx.msk [tilespmem:v16+s13+$0x0], $0xffff  }
0x132: {  	v13 =	vmov s20;
	v8 =	vld.idx.msk [tilespmem:v18+s13+$0x0], $0xffff  }
0x133: {  	s22 =	simm.s32 $0x7;
	s25 =	simm.s32 $0x8;
	v19 =	vmov s9;
	v22 =	vmov s26;
	v20 =	vadd.s32 s20, v3;
	s9 =	simm.s32 $0x6;
	v21 =	vld.idx.msk [tilespmem:v10+s29+$0x0], $0xffff  }
0x134: {  	v23 =	vmov s22;
	v27 =	vmov s25;
	v24 =	vadd.s32 s9, v3;
	v25 =	vld.idx.msk [tilespmem:v10+s13+$0x0], $0xffff  }
0x135: {  	v42 =	vmov s11;
	v59 =	vmov s18;
	v13 =	vshll.u32 v13, $0x5;
	v30 =	vld.idx.msk [tilespmem:v12+s13+$0x0], $0xffff  }
0x136: {  	v19 =	vshll.u32 v19, $0x5;
	v42 =	vshll.u32 v42, $0x5;
	v22 =	vshll.u32 v22, $0x5;
	v31 =	vld.idx.msk [tilespmem:v17+s29+$0x0], $0xffff  }
0x137: {  	v23 =	vshll.u32 v23, $0x5;
	v27 =	vshll.u32 v27, $0x5;
	v26 =	vadd.s32 s22, v3;
	v35 =	vld.idx.msk [tilespmem:v18+s29+$0x0], $0xffff  }
0x138: {  	v29 =	vadd.s32 s25, v3;
	s26 =	simm.s32 $0x9;
	s20 =	simm.s32 $0xA;
	v37 =	vmov s1;
	v6 =	vbroadcast v6, $0x0;
	v38 =	vld.idx.msk [tilespmem:v20+s13+$0x0], $0xffff  }
0x139: {  	s22 =	simm.s32 $0xB;
	v28 =	vmov s26;
	v32 =	vadd.s32 s26, v3;
	v33 =	vadd.s32 s20, v3;
	v41 =	vld.idx.msk [tilespmem:v24+s29+$0x0], $0xffff  }
0x13a: {  	s25 =	simm.s32 $0xC;
	v34 =	vmov s22;
	v36 =	vadd.s32 s22, v3;
	v37 =	vshll.u32 v37, $0x5;
	v43 =	vld.idx.msk [tilespmem:v20+s29+$0x0], $0xffff  }
0x13b: {  	v39 =	vmov s9;
	v40 =	vmov s25;
	v44 =	vadd.s32 s25, v3;
	v45 =	vld.idx.msk [tilespmem:v12+s29+$0x0], $0xffff  }
0x13c: {  	s26 =	simm.s32 $0xD;
	v63 =	vshll.u32 v17, $0x4;
	v34 =	vshll.u32 v34, $0x5;
	v39 =	vshll.u32 v39, $0x5;
	v49 =	vld.idx.msk [tilespmem:v26+s29+$0x0], $0xffff  }
0x13d: {  	v55 =	vadd.s32 s26, v3;
	v62 =	vshll.u32 v44, $0x4;
	v51 =	vld.idx.msk [tilespmem:v29+s29+$0x0], $0xffff;
	v10 =	vshll.u32 v10, $0x4  }
0x13e: {  	v53 =	vld.idx.msk [tilespmem:v24+s13+$0x0], $0xffff;
	v24 =	vshll.u32 v24, $0x4;
	v18 =	vshll.u32 v18, $0x4;
	v6 =	vor.u32 v1, v6  }
0x13f: {  	v52 =	vld.idx.msk [tilespmem:v36+s29+$0x0], $0xffff;
	v61 =	vor.u32 v0, v10;
	v13 =	vadd.s32 v13, v6;
	v48 =	vadd.s32 v42, v6  }
0x140: {  	v54 =	vld.idx.msk [tilespmem:v44+s29+$0x0], $0xffff;
	v19 =	vadd.s32 v19, v6;
	v50 =	vadd.s32 v39, v6;
	v21 =	vadd.s32 v21, v48  }
0x141: {  	v46 =	vld.idx.msk [tilespmem:v32+s29+$0x0], $0xffff;
	v22 =	vadd.s32 v22, v6;
	v19 =	vadd.s32 v35, v19;
	v35 =	vadd.s32 v41, v50  }
0x142: {  	v58 =	vld.idx.msk [tilespmem:v17+s13+$0x0], $0xffff;
	v37 =	vadd.s32 v37, v6;
	v23 =	vadd.s32 v23, v6;
	v22 =	vadd.s32 v45, v22  }
0x143: {  	v60 =	vld.idx.msk [tilespmem:v15+s29+$0x0], $0xffff;
	v37 =	vadd.s32 v11, v37;
	v11 =	vmov s21;
	v13 =	vadd.s32 v43, v13  }
0x144: {  	v17 =	vld.idx.msk [tilespmem:v32+s13+$0x0], $0xffff;
	v42 =	vadd.s32 v49, v23;
	v23 =	vadd.s32 v27, v6;
	v27 =	vadd.s32 v34, v6  }
0x145: {  	v11 =	vshll.u32 v11, $0x5;
	v47 =	vadd.s32 v51, v23;
	v41 =	vadd.s32 v52, v27;
	v21 =	vld.idx.msk [tilespmem:v21+s16+$0x0], $0xffff  }
0x146: {  	v23 =	vmov s19;
	v27 =	vshll.u32 v28, $0x5;
	v28 =	vshll.u32 v40, $0x5;
	v35 =	vld.idx.msk [tilespmem:v35+s16+$0x0], $0xffff  }
0x147: {  	v11 =	vadd.s32 v11, v6;
	v27 =	vadd.s32 v27, v6;
	v56 =	vshll.u32 v23, $0x5;
	v22 =	vld.idx.msk [tilespmem:v22+s16+$0x0], $0xffff  }
0x148: {  	v23 =	vadd.s32 v28, v6;
	v28 =	vmov s20;
	v31 =	vadd.s32 v31, v11;
	v13 =	vld.idx.msk [tilespmem:v13+s16+$0x0], $0xffff  }
0x149: {  	v11 =	vld.idx.msk [tilespmem:v33+s29+$0x0], $0xffff;
	v57 =	vadd.s32 v46, v27;
	v27 =	vshll.u32 v28, $0x5;
	v28 =	vadd.s32 v56, v6  }
0x14a: {  	v48 =	vshll.u32 v26, $0x4;
	v50 =	vshll.u32 v36, $0x4;
	v28 =	vadd.s32 v9, v28;
	v9 =	vld.idx.msk [tilespmem:v55+s29+$0x0], $0xffff  }
0x14b: {  	v40 =	vor.u32 v0, v48;
	v23 =	vadd.s32 v54, v23;
	v42 =	vld.idx.msk [tilespmem:v42+s16+$0x0], $0xffff;
	v21 =	vsel vm0, v21, v25  }
0x14c: {  	v37 =	vld.idx.msk [tilespmem:v37+s16+$0x0], $0xffff;
	v25 =	vadd.s32 v27, v6;
	v35 =	vsel vm0, v35, v53;
	v22 =	vsel vm0, v22, v30  }
0x14d: {  	v34 =	vld.idx.msk [tilespmem:v47+s16+$0x0], $0xffff;
	v38 =	vsel vm0, v13, v38;
	v13 =	vshll.u32 v20, $0x4;
	v20 =	vor.u32 v0, v24  }
0x14e: {  	v30 =	vld.idx.msk [tilespmem:v26+s13+$0x0], $0xffff;
	v25 =	vadd.s32 v11, v25;
	v11 =	vmov s26;
	v24 =	vor.u32 v0, v13  }
0x14f: {  	v49 =	vld.idx.msk [tilespmem:v31+s16+$0x0], $0xffff;
	v13 =	vshll.u32 v59, $0x5;
	[tilespmem:v61+s30+$0x0] =	vst.idx.msk $0xffff, v21;
	v21 =	vshll.u32 v16, $0x4;
	v10 =	vshll.u32 v11, $0x5  }
0x150: {  	v16 =	vshll.u32 v14, $0x4;
	v14 =	vshll.u32 v15, $0x4;
	v11 =	vld.idx.msk [tilespmem:v36+s13+$0x0], $0xffff;
	v10 =	vadd.s32 v10, v6  }
0x151: {  	v15 =	vshll.u32 v33, $0x4;
	v36 =	vld.idx.msk [tilespmem:v57+s16+$0x0], $0xffff;
	v27 =	vadd.s32 v9, v10;
	v9 =	vshll.u32 v12, $0x4  }
0x152: {  	v14 =	vor.u32 v0, v14;
	v16 =	vor.u32 v0, v16;
	v10 =	vld.idx.msk [tilespmem:v29+s13+$0x0], $0xffff;
	v26 =	vor.u32 v0, v9  }
0x153: {  	v12 =	vld.idx.msk [tilespmem:v44+s13+$0x0], $0xffff;
	v9 =	vadd.s32 v13, v6;
	v39 =	vsel vm0, v42, v30;
	v13 =	vshll.u32 v32, $0x4  }
0x154: {  	[tilespmem:v20+s30+$0x0] =	vst.idx.msk $0xffff, v35;
	v20 =	vshll.u32 v55, $0x4;
	v30 =	vor.u32 v0, v21;
	v21 =	vor.u32 v0, v15  }
0x155: {  	v32 =	vor.u32 v0, v18;
	v15 =	vor.u32 v0, v63;
	[tilespmem:v24+s30+$0x0] =	vst.idx.msk $0xffff, v38;
	v38 =	vld.idx.msk [tilespmem:v19+s16+$0x0], $0xffff  }
0x156: {  	v35 =	vld.idx.msk [tilespmem:v41+s16+$0x0], $0xffff;
	v31 =	vadd.s32 v60, v9;
	v13 =	vor.u32 v0, v13;
	v24 =	vshll.u32 v29, $0x4  }
0x157: {  	v19 =	vld.idx.msk [tilespmem:v33+s13+$0x0], $0xffff;
	v20 =	vor.u32 v0, v20;
	v33 =	vor.u32 v0, v50;
	v29 =	vor.u32 v0, v24  }
0x158: {  	s18 =	simm.s32 $0x10;
	v9 =	vld.idx.msk [tilespmem:v55+s13+$0x0], $0xffff;
	[tilespmem:v26+s30+$0x0] =	vst.idx.msk $0xffff, v22;
	v26 =	vsel vm0, v49, v58;
	v22 =	vor.u32 v0, v62  }
.LBB2_17:
0x159: {  	s25 =	sadd.s32 $0x1, s18  }
0x15a: {  	v24 =	vmov s18;
	v18 =	vadd.s32 s18, v3;
	s1 =	sadd.s32 $0x5, s18;
	s19 =	sadd.s32 $0xA, s18;
	v8 =	vsel vm0, v38, v8;
	[tilespmem:v40+s30+$0x0] =	vst.idx.msk $0xffff, v39;
	v38 =	vld.idx.msk [tilespmem:v25+s16+$0x0], $0xffff;
	s22 =	smov.u32 s18  }
0x15b: {  	s8 =	sadd.s32 $0x2, s18;
	s20 =	sadd.s32 $0xE, s18;
	s21 =	sadd.s32 $0xF, s18;
	v7 =	vsel vm0, v37, v7;
	v25 =	vadd.s32 s25, v3;
	v39 =	vmov s1;
	[tilespmem:v32+s30+$0x0] =	vst.idx.msk $0xffff, v8;
	v8 =	vld.idx.msk [tilespmem:v23+s16+$0x0], $0xffff  }
0x15c: {  	p1 =	slt.u32 s18, $0x310;
	s18 =	sadd.s32 $0x10, s18;
	v23 =	vadd.s32 s8, v3;
	s9 =	sadd.s32 $0x3, s22;
	v32 =	vshll.u32 v39, $0x5;
	[tilespmem:v30+s30+$0x0] =	vst.idx.msk $0xffff, v7;
	v7 =	vsel vm0, v35, v11;
	v11 =	vld.idx.msk [tilespmem:v27+s16+$0x0], $0xffff  }
0x15d: {  	v27 =	vmov s9;
	v30 =	vadd.s32 s9, v3;
	s9 =	sadd.s32 $0x4, s22;
	v35 =	vadd.s32 s21, v3;
	v28 =	vld.idx.msk [tilespmem:v28+s16+$0x0], $0xffff;
	[tilespmem:v15+s30+$0x0] =	vst.idx.msk $0xffff, v26  }
0x15e: {  	v37 =	vshll.u32 v27, $0x5;
	v39 =	vadd.s32 s9, v3;
	v17 =	vsel vm0, v36, v17;
	v26 =	vld.idx.msk [tilespmem:v31+s16+$0x0], $0xffff;
	[tilespmem:v33+s30+$0x0] =	vst.idx.msk $0xffff, v7  }
0x15f: {  	v31 =	vmov s9;
	v33 =	vadd.s32 s1, v3;
	s1 =	sadd.s32 $0x6, s22;
	v7 =	vsel vm0, v34, v10;
	v15 =	vld.idx.msk [tilespmem:v18+s29+$0x0], $0xffff;
	[tilespmem:v13+s30+$0x0] =	vst.idx.msk $0xffff, v17  }
0x160: {  	v34 =	vadd.s32 s20, v3;
	v13 =	vmov s8;
	v17 =	vadd.s32 s1, v3;
	s8 =	sadd.s32 $0x7, s22;
	v10 =	vld.idx.msk [tilespmem:v18+s13+$0x0], $0xffff  }
0x161: {  	v40 =	vmov s8;
	v41 =	vadd.s32 s8, v3;
	s8 =	sadd.s32 $0x8, s22;
	v36 =	vld.idx.msk [tilespmem:v23+s13+$0x0], $0xffff;
	[tilespmem:v29+s30+$0x0] =	vst.idx.msk $0xffff, v7;
	v7 =	vsel vm0, v8, v12  }
0x162: {  	v12 =	vmov s8;
	v42 =	vadd.s32 s8, v3;
	s8 =	sadd.s32 $0x9, s22;
	v8 =	vsel vm0, v38, v19;
	v29 =	vld.idx.msk [tilespmem:v25+s29+$0x0], $0xffff;
	[tilespmem:v22+s30+$0x0] =	vst.idx.msk $0xffff, v7  }
0x163: {  	v19 =	vmov s8;
	v38 =	vadd.s32 s8, v3;
	v5 =	vsel vm0, v28, v5;
	v7 =	vld.idx.msk [tilespmem:v25+s13+$0x0], $0xffff;
	[tilespmem:v21+s30+$0x0] =	vst.idx.msk $0xffff, v8  }
0x164: {  	s8 =	sadd.s32 $0xB, s22;
	v21 =	vshll.u32 v19, $0x5;
	v19 =	vadd.s32 s19, v3;
	v4 =	vsel vm0, v26, v4;
	v8 =	vld.idx.msk [tilespmem:v30+s13+$0x0], $0xffff;
	[tilespmem:v16+s30+$0x0] =	vst.idx.msk $0xffff, v5  }
0x165: {  	v2 =	vsel vm0, v11, v9;
	v1 =	vmov s8;
	v16 =	vadd.s32 s8, v3;
	s8 =	sadd.s32 $0xC, s22;
	v43 =	vld.idx.msk [tilespmem:v35+s29+$0x0], $0xffff;
	[tilespmem:v14+s30+$0x0] =	vst.idx.msk $0xffff, v4  }
0x166: {  	v9 =	vmov s25;
	v22 =	vshll.u32 v13, $0x5;
	v13 =	vshll.u32 v1, $0x5;
	v5 =	vmovc v10;
	v28 =	vld.idx.msk [tilespmem:v35+s13+$0x0], $0xffff;
	[tilespmem:v20+s30+$0x0] =	vst.idx.msk $0xffff, v2  }
0x167: {  	v9 =	vshll.u32 v9, $0x5;
	v10 =	vmov s1;
	v11 =	vmov s8;
	s1 =	sadd.s32 $0xD, s22;
	v4 =	vmovc v36;
	v27 =	vld.idx.msk [tilespmem:v39+s13+$0x0], $0xffff  }
0x168: {  	v14 =	vshll.u32 v10, $0x5;
	v10 =	vmov s1;
	v20 =	vadd.s32 s1, v3;
	v26 =	vld.idx.msk [tilespmem:v34+s13+$0x0], $0xffff  }
0x169: {  	v32 =	vadd.s32 v32, v6;
	v36 =	vshll.u32 v11, $0x5;
	v44 =	vshll.u32 v10, $0x5;
	v45 =	vld.idx.msk [tilespmem:v34+s29+$0x0], $0xffff  }
0x16a: {  	v31 =	vshll.u32 v31, $0x5;
	v47 =	vadd.s32 s8, v3;
	v10 =	vmov s21;
	v46 =	vld.idx.msk [tilespmem:v33+s13+$0x0], $0xffff  }
0x16b: {  	v37 =	vadd.s32 v37, v6;
	v12 =	vshll.u32 v12, $0x5;
	v48 =	vshll.u32 v10, $0x5;
	v11 =	vld.idx.msk [tilespmem:v16+s13+$0x0], $0xffff  }
0x16c: {  	v50 =	vshll.u32 v17, $0x4;
	v51 =	vadd.s32 v12, v6;
	v12 =	vmov s20;
	v49 =	vld.idx.msk [tilespmem:v30+s29+$0x0], $0xffff  }
0x16d: {  	v52 =	vadd.s32 v21, v6;
	v21 =	vshll.u32 v12, $0x5;
	v35 =	vshll.u32 v35, $0x4;
	v10 =	vld.idx.msk [tilespmem:v42+s13+$0x0], $0xffff  }
0x16e: {  	v54 =	vshll.u32 v33, $0x4;
	v55 =	vshll.u32 v41, $0x4;
	v56 =	vshll.u32 v47, $0x4;
	v53 =	vld.idx.msk [tilespmem:v23+s29+$0x0], $0xffff  }
0x16f: {  	v12 =	vshll.u32 v40, $0x5;
	v40 =	vadd.s32 v13, v6;
	v58 =	vshll.u32 v16, $0x4;
	v57 =	vld.idx.msk [tilespmem:v17+s29+$0x0], $0xffff  }
0x170: {  	v60 =	vadd.s32 v12, v6;
	v12 =	vshll.u32 v38, $0x4;
	v59 =	vld.idx.msk [tilespmem:v39+s29+$0x0], $0xffff;
	v39 =	vshll.u32 v39, $0x4  }
0x171: {  	v13 =	vor.u32 v0, v12;
	v61 =	vshll.u32 v20, $0x4;
	v34 =	vshll.u32 v34, $0x4;
	v12 =	vld.idx.msk [tilespmem:v47+s13+$0x0], $0xffff  }
0x172: {  	v9 =	vadd.s32 v9, v6;
	v44 =	vadd.s32 v44, v6;
	v37 =	vadd.s32 v49, v37;
	v49 =	vld.idx.msk [tilespmem:v17+s13+$0x0], $0xffff  }
0x173: {  	v24 =	vshll.u32 v24, $0x5;
	v62 =	vadd.s32 v29, v9;
	v9 =	vmov s19;
	v29 =	vld.idx.msk [tilespmem:v33+s29+$0x0], $0xffff  }
0x174: {  	v63 =	vshll.u32 v42, $0x4;
	v2 =	vshll.u32 v9, $0x5;
	v33 =	vshll.u32 v30, $0x4;
	v9 =	vld.idx.msk [tilespmem:v20+s13+$0x0], $0xffff  }
0x175: {  	v25 =	vshll.u32 v25, $0x4;
	v1 =	vshll.u32 v19, $0x4;
	v30 =	vadd.s32 v48, v6;
	v17 =	vld.idx.msk [tilespmem:v38+s13+$0x0], $0xffff  }
0x176: {  	v18 =	vshll.u32 v18, $0x4;
	v36 =	vadd.s32 v36, v6;
	v30 =	vadd.s32 v43, v30;
	v48 =	vld.idx.msk [tilespmem:v19+s29+$0x0], $0xffff  }
0x177: {  	v14 =	vadd.s32 v14, v6;
	v23 =	vshll.u32 v23, $0x4;
	v43 =	vld.idx.msk [tilespmem:v41+s29+$0x0], $0xffff  }
0x178: {  	v57 =	vadd.s32 v57, v14;
	v41 =	vld.idx.msk [tilespmem:v41+s13+$0x0], $0xffff  }
0x179: {  	v14 =	vadd.s32 v31, v6;
	v29 =	vadd.s32 v29, v32;
	v31 =	vld.idx.msk [tilespmem:v42+s29+$0x0], $0xffff  }
0x17a: {  	v42 =	vadd.s32 v59, v14;
	v59 =	vld.idx.msk [tilespmem:v16+s29+$0x0], $0xffff  }
0x17b: {  	v47 =	vld.idx.msk [tilespmem:v47+s29+$0x0], $0xffff  }
0x17c: {  	v38 =	vld.idx.msk [tilespmem:v38+s29+$0x0], $0xffff  }
0x17d: {  	v21 =	vadd.s32 v21, v6;
	v14 =	vor.u32 v0, v23;
	v43 =	vadd.s32 v43, v60;
	v60 =	vld.idx.msk [tilespmem:v30+s16+$0x0], $0xffff  }
0x17e: {  	v16 =	vor.u32 v0, v18;
	v30 =	vor.u32 v0, v25;
	v25 =	vadd.s32 v45, v21;
	v18 =	vld.idx.msk [tilespmem:v29+s16+$0x0], $0xffff  }
0x17f: {  	v21 =	vor.u32 v0, v1;
	v1 =	vor.u32 v0, v35;
	v51 =	vadd.s32 v31, v51;
	v45 =	vld.idx.msk [tilespmem:v57+s16+$0x0], $0xffff  }
0x180: {  	v32 =	vor.u32 v0, v33;
	v29 =	vor.u32 v0, v63;
	v33 =	vadd.s32 v59, v40;
	v31 =	vld.idx.msk [tilespmem:v42+s16+$0x0], $0xffff  }
0x181: {  	v2 =	vadd.s32 v2, v6;
	v35 =	vor.u32 v0, v50;
	v23 =	vadd.s32 v47, v36;
	v36 =	vld.idx.msk [tilespmem:v20+s29+$0x0], $0xffff  }
0x182: {  	v24 =	vadd.s32 v24, v6;
	v42 =	vor.u32 v0, v54;
	v47 =	vadd.s32 v38, v52;
	v43 =	vld.idx.msk [tilespmem:v43+s16+$0x0], $0xffff  }
0x183: {  	v39 =	vor.u32 v0, v39;
	v20 =	vor.u32 v0, v61;
	v50 =	vld.idx.msk [tilespmem:v25+s16+$0x0], $0xffff;
	v25 =	vsel vm0, v60, v28  }
0x184: {  	v28 =	vadd.s32 v15, v24;
	v15 =	vor.u32 v0, v34;
	v38 =	vld.idx.msk [tilespmem:v37+s16+$0x0], $0xffff;
	[tilespmem:v1+s30+$0x0] =	vst.idx.msk $0xffff, v25  }
.Ltmp7:
0x185: {  	v40 =	vor.u32 v0, v55;
	v1 =	vsel vm0, v45, v49;
	v25 =	vadd.s32 v48, v2;
	v37 =	vld.idx.msk [tilespmem:v62+s16+$0x0], $0xffff;
	(pc) =	sbr.rel @p1 .LBB2_17-.Ltmp7, $4  }
0x186: {  	v18 =	vsel vm0, v18, v46;
	v2 =	vsel vm0, v31, v27;
	[tilespmem:v35+s30+$0x0] =	vst.idx.msk $0xffff, v1;
	v35 =	vld.idx.msk [tilespmem:v33+s16+$0x0], $0xffff  }
0x187: {  	v33 =	vor.u32 v0, v58;
	v27 =	vadd.s32 v36, v44;
	[tilespmem:v42+s30+$0x0] =	vst.idx.msk $0xffff, v18;
	v19 =	vld.idx.msk [tilespmem:v19+s13+$0x0], $0xffff  }
0x188: {  	v1 =	vadd.s32 v22, v6;
	[tilespmem:v39+s30+$0x0] =	vst.idx.msk $0xffff, v2;
	v39 =	vsel vm0, v43, v41;
	v36 =	vld.idx.msk [tilespmem:v47+s16+$0x0], $0xffff  }
0x189: {  	v22 =	vor.u32 v0, v56;
	v31 =	vadd.s32 v53, v1;
	v26 =	vsel vm0, v50, v26;
	v34 =	vld.idx.msk [tilespmem:v51+s16+$0x0], $0xffff  }
0x18a: {  	_ =	sdelay $0x3  }
0x18b: {  	[tilespmem:v40+s30+$0x0] =	vst.idx.msk $0xffff, v39  }
0x18c: {  	v1 =	vsel vm0, v38, v8;
	v3 =	vld.idx.msk [tilespmem:v25+s16+$0x0], $0xffff;
	[tilespmem:v15+s30+$0x0] =	vst.idx.msk $0xffff, v26  }
0x18d: {  	v2 =	vsel vm0, v37, v7;
	[tilespmem:v32+s30+$0x0] =	vst.idx.msk $0xffff, v1;
	v1 =	vld.idx.msk [tilespmem:v23+s16+$0x0], $0xffff  }
0x18e: {  	v6 =	vld.idx.msk [tilespmem:v28+s16+$0x0], $0xffff;
	[tilespmem:v30+s30+$0x0] =	vst.idx.msk $0xffff, v2;
	v2 =	vsel vm0, v35, v11  }
0x18f: {  	v62 =	vld.idx.msk [tilespmem:v31+s16+$0x0], $0xffff;
	[tilespmem:v33+s30+$0x0] =	vst.idx.msk $0xffff, v2;
	v63 =	vsel vm0, v36, v17  }
0x190: {  	s0 =	sshll.u32 s0, $0x2;
	v2 =	vld.idx.msk [tilespmem:v27+s16+$0x0], $0xffff;
	v10 =	vsel vm0, v34, v10;
	[tilespmem:v13+s30+$0x0] =	vst.idx.msk $0xffff, v63  }
0x191: {  	s1 =	smul.u32 $0xC800, s17;
	s0 =	sadd.s32 s10, s0;
	[tilespmem:v29+s30+$0x0] =	vst.idx.msk $0xffff, v10;
	v3 =	vsel vm0, v3, v19  }
0x192: {  	s8 =	smul.u32 $0x190, s0;
	v1 =	vsel vm0, v1, v12;
	[tilespmem:v21+s30+$0x0] =	vst.idx.msk $0xffff, v3  }
0x193: {  	s0 =	smul.u32 $0xC80, s0;
	[tilespmem:v22+s30+$0x0] =	vst.idx.msk $0xffff, v1;
	v1 =	vsel vm0, v6, v5  }
0x194: {  	[tilespmem:v16+s30+$0x0] =	vst.idx.msk $0xffff, v1;
	v1 =	vsel vm0, v62, v4  }
0x195: {  	s1 =	sshrl.u32 s1, $0x2;
	s0 =	sshrl.u32 s0, $0x3;
	[tilespmem:v14+s30+$0x0] =	vst.idx.msk $0xffff, v1;
	v1 =	vsel vm0, v2, v9  }
0x196: {  	s9 =	sadd.s32 $0xED80, s1;
	s8 =	sadd.s32 s2, s8;
	s0 =	sadd.s32 s2, s0;
	[tilespmem:v20+s30+$0x0] =	vst.idx.msk $0xffff, v1  }
0x197: {  	[hbm4b:s8+s3] =	stream.linear.scatter [tilespmem:s9], [sflag:$0x2], $0xC80, $0x38;
	[tilespmem:$0x15180] =	vst v63  }
0x198: {  	p1 =	sne.s32 s15, $0x20;
	s22 =	sadd.s32 $0xFA00, s1;
	s21 =	sadd.s32 $0x190, s0  }
0x199: {  	[hbm4b:s21+s3] =	stream.linear.scatter [tilespmem:s22], [sflag:$0x2], $0xC80, $0x38;
	[tilespmem:$0x15180] =	vst v63  }
.Ltmp8:
0x19a: {  	s26 =	sadd.s32 $0x10680, s1;
	s25 =	sadd.s32 $0x320, s0;
	v1 =	vld [tilespmem:$0x1FFF0];
	(pc) =	sbr.rel @p1 .LBB2_8-.Ltmp8, $4  }
0x19b: {  	[hbm4b:s25+s3] =	stream.linear.scatter [tilespmem:s26], [sflag:$0x2], $0xC80, $0x38;
	[tilespmem:$0x15180] =	vst v63  }
0x19c: {  	s1 =	sadd.s32 $0x11300, s1;
	s0 =	sadd.s32 $0x4B0, s0  }
0x19d: {  	[hbm4b:s0+s3] =	stream.linear.scatter [tilespmem:s1], [sflag:$0x2], $0xC80, $0x38;
	[tilespmem:$0x15180] =	vst v63  }
0x19e: {  	p0 =	por !p0, !p0;
	s0 =	smov.u32 s15  }
0x19f: {  	_ =	swait.ge [sflag:s31], $0xC80  }
0x1a0: {  	[sflag:s31] =	ssyncset.done $0x0  }
0x1a1: {  	[sflag:s31] =	ssyncadd.s32 $0xFFFFF380  }
0x1a2: {  	_ =	swait.ge [sflag:s31], $0xC80  }
0x1a3: {  	[sflag:s31] =	ssyncset.done $0x0  }
0x1a4: {  	[sflag:s31] =	ssyncadd.s32 $0xFFFFF380  }
0x1a5: {  	_ =	swait.ge [sflag:s31], $0xC80  }
0x1a6: {  	[sflag:s31] =	ssyncset.done $0x0  }
0x1a7: {  	[sflag:s31] =	ssyncadd.s32 $0xFFFFF380  }
0x1a8: {  	_ =	swait.ge [sflag:s31], $0xC80  }
0x1a9: {  	[sflag:s31] =	ssyncset.done $0x0  }
0x1aa: {  	[sflag:s31] =	ssyncadd.s32 $0xFFFFF380  }
0x1ab: {  	_ =	swait.ge [sflag:s31], $0xC80  }
0x1ac: {  	[sflag:s31] =	ssyncset.done $0x0  }
0x1ad: {  	[sflag:s31] =	ssyncadd.s32 $0xFFFFF380  }
0x1ae: {  	_ =	swait.ge [sflag:s31], $0xC80  }
0x1af: {  	[sflag:s31] =	ssyncset.done $0x0  }
0x1b0: {  	[sflag:s31] =	ssyncadd.s32 $0xFFFFF380  }
0x1b1: {  	_ =	swait.ge [sflag:s31], $0xC80  }
0x1b2: {  	[sflag:s31] =	ssyncset.done $0x0  }
0x1b3: {  	[sflag:s31] =	ssyncadd.s32 $0xFFFFF380  }
0x1b4: {  	_ =	swait.ge [sflag:s31], $0xC80  }
0x1b5: {  	s1 =	rddreg [dreg:$0x6]  }
0x1b6: {  	s0 =	rddreg [dreg:$0x5];
	s1 =	sadd.s32 $0x1, s1  }
0x1b7: {  	p0 =	sne.s32 s1, s0  }
.Ltmp9:
0x1b8: {  	_ = 	snop;
	(pc) =	sbr.rel @p0 .LBB2_1-.Ltmp9, $3  }
0x1b9: {  	_ =	sdelay $0x1  }
0x1ba: {  	[sflag:s31] =	ssyncset.done $0x0  }
0x1bb: {  	[sflag:s31] =	ssyncadd.s32 $0xFFFFF380  }
0x1bc: {  	_ =	sfence.sel $0x180000  }
0x1bd: {  	[bflag:$0x0] =	sbarrier.arrive $0xFFFF  }
0x1be: {  	_ =	strace $0x90000047  }
0x1bf: {  	s0 =	stileid.u32;
	[bflag:$0x2] =	sbarrier.arrive $0xFFFF  }
0x1c0: {  	p0 =	sne.s32 s0, $0x0;
	s0 =	rddreg [dreg:$0x2]  }
0x1c1: {  	s0 =	sadd.s32 @!p0 $0x100000, s0  }
0x1c2: {  	[sflag:s0] =	ssyncadd.tile.s32 @!p0 $0x1;
	_ =	shalt  }
.Lfunc_end2:
_tile_overlayer_lowered:
.L_overlay_start_2:
0x1c3: {  	(tag) =	ssettag $0x2  }
0x1c4: {  	s0 =	rddreg [dreg:$0x0];
	s2 =	stileid.u32  }
0x1c5: {  	s1 =	rddreg [dreg:$0x1];
	p0 =	sne.s32 s2, $0x0  }
0x1c6: {  	s3 =	rddreg [dreg:$0x2];
	[bflag:$0x3] =	sbarrier.arrive $0xFFFF;
	s2 =	simm.s32 @!p0 $0x1C03  }
0x1c7: {  	[timem:s3], [sflag:s2] =	dma.local @!p0 [hbm:s0], s1  }
0x1c8: {  	s0 =	simm.s32 @!p0 $0x3  }
0x1c9: {  	_ =	swait.ge @!p0 [sflag:s0], s1  }
0x1ca: {  	s1 =	ssub.s32 @!p0 $0x0, s1;
	[sflag:s0] =	ssyncset.done @!p0 $0x0  }
0x1cb: {  	[sflag:s0] =	ssyncadd.s32 @!p0 s1  }
0x1cc: {  	[bflag:$0x3] =	sbarrier.arrive $0xFFFF  }
0x1cd: {  	_ =	shalt  }

// kernel: sparse-core-data-format-call.cloned.1.call-start
scs
called_computation_lowered:
.L_overlay_start_0:
0x0: {  	s2 =	sld [smem:$0x3FD9]  }
0x1: {  	s3 =	sld [smem:$0x3FFE];
	_ =	sdelay $0x1  }
0x2: {  	s1 =	srdreg.scid  }
0x3: {  	s0 =	sand.u32 $0x1, s1  }
0x4: {  	s18 =	sshll.u32 s0, $0xA;
	s2 =	sadd.s32 s3, s2  }
0x5: {  	s2 =	sadd.s32 s2, s18  }
0x6: {  	[smem:$0x3FC6] =	sst s2  }
0x7: {  	_ = 	snop  }
0x8: {  	s2 =	sld [smem:$0x3FD0];
	(tm) =	ssettm $0x1  }
0x9: {  	s19 =	sld [smem:$0x3FFB];
	_ =	sdelay $0x3  }
0xa: {  	_ =	strace s19  }
0xb: {  	s3 =	sld [smem:$0x3FFC];
	_ =	sdelay $0x3  }
0xc: {  	_ =	strace s3  }
0xd: {  	s3 =	sld [smem:$0x3FFD];
	_ =	sdelay $0x3  }
0xe: {  	_ =	strace s3  }
0xf: {  	_ =	strace $0x8FFFFFFF  }
0x10: {  	s20 =	sld [smem:$0x3FDB];
	_ =	sdelay $0x1  }
0x11: {  	s4 =	simm.s32 $_scs_section_size  }
0x12: {  	s5 =	simm.s32 $_size__tile_overlayer_lowered;
	s6 =	simm.s32 $_tile_overlayer_lowered  }
0x13: {  	s23 =	simm.s32 $0x1BFF;
	s22 =	sshll.u32 s6, $0x1;
	s3 =	sadd.s32 s4, s20  }
0x14: {  	s7 =	simm.s32 $0x0;
	s21 =	sshll.u32 s5, $0x1;
	s5 =	sadd.s32 s22, s3  }
0x15: {  	[timem:s7], [sflag:s23] =	dma.local [hbm:s5], s21  }
0x16: {  	_ =	swait.ge [sflag:s23], s21  }
0x17: {  	s4 =	ssub.s32 $0x0, s21;
	[sflag:s23] =	ssyncset.done $0x0  }
0x18: {  	[sflag:s23] =	ssyncadd.s32 s4;
	_ =	sdelay $0x1  }
0x19: {  	s24 =	simm.s32 $0x1B8B  }
0x1a: {  	_ =	swait.ge [sflag:s24], $0x1  }
0x1b: {  	[sflag:s24] =	ssyncset.done $0x0  }
0x1c: {  	s26 =	simm.s32 $0x1B8E;
	s25 =	sld [smem:$0x3FFE];
	[sflag:s24] =	ssyncadd.s32 $0xFFFFFFFF  }
0x1d: {  	s27 =	simm.s32 $execute0_lowered;
	[smem:$0x3FD2] =	sst s26  }
0x1e: {  	s5 =	sshll.u32 s27, $0x1;
	_ =	strace $0x80000049;
	[dreg:$0x1] =	wrdreg $0xFFFFFFFF  }
0x1f: {  	s28 =	simm.s32 $_size_execute0_lowered;
	s3 =	sadd.s32 s3, s5;
	[dreg:$0x0] =	wrdreg $0x0  }
0x20: {  	s5 =	sshll.u32 s28, $0x1;
	[dreg:$0x2] =	wrdreg s3  }
0x21: {  	[dreg:$0x3] =	wrdreg s5  }
0x22: {  	[dreg:$0x4] =	wrdreg $0xC0  }
0x23: {  	_ =	task [dreg:s7], $0x5FFFF  }
0x24: {  	[dreg:$0x1] =	wrdreg $0xFFFFFFFF  }
0x25: {  	[dreg:$0x0] =	wrdreg $0x60  }
0x26: {  	[dreg:$0x2] =	wrdreg s25  }
0x27: {  	[dreg:$0x3] =	wrdreg s2  }
0x28: {  	[dreg:$0x4] =	wrdreg $0x9  }
0x29: {  	_ =	task.clear_ibuf [dreg:s7], $0x5FFFF;
	_ =	strace $0x90000049  }
0x2a: {  	s29 =	simm.s32 $0x9;
	_ =	strace $0x8000004B  }
0x2b: {  	_ =	swait.ge [sflag:s29], $0x1  }
0x2c: {  	[sflag:s29] =	ssyncadd.s32 $0xFFFFFFFF  }
0x2d: {  	_ =	strace $0x9000004B  }
0x2e: {  	_ =	sfence  }
0x2f: {  	s30 =	sld [smem:$0x0];
	_ =	sdelay $0x2  }
0x30: {  	s31 =	sshll.u32 s1, $0xD;
	s1 =	sshrl.u32 s1, $0x2  }
0x31: {  	s3 =	sand.u32 $0x4000, s31;
	s1 =	sadd.s32 s1, s30  }
0x32: {  	s0 =	sor.u32 s3, s0;
	s1 =	sshll.u32 s1, $0x11  }
0x33: {  	s0 =	sor.u32 s1, s0  }
0x34: {  	s0 =	sadd.s32 $0x8F2B, s0  }
0x35: {  	[sflag:s0] =	ssyncadd.remote.s32 $0x1  }
0x36: {  	_ =	sfence.sel $0xFFFF  }
0x37: {  	[dreg:$0x0] =	wrdreg $0xFFFFFFFF;
	(pc) =	sbr.abs _section_cstart, $3  }
0x38: {  	[dreg:$0x1] =	wrdreg $0xFFFFFFFF  }
0x39: {  	_ =	task.clear_ibuf [dreg:s7], $0x2FFFF;
	_ =	strace $0x9FFFFFFF  }
0x3a: {  	(tm) =	ssettm $0x7FFFFFFF  }
0x3b: {  	_ =	shalt  }
tec
execute0_lowered:
.L_overlay_start_1:
0x0: {  	(tag) =	ssettag $0x1  }
0x1: {  	s0 =	srdreg.scid  }
0x2: {  	s1 =	sshll.u32 s0, $0x4  }
0x3: {  	s0 =	stileid.u32;
	s1 =	sand.u32 $0x10, s1  }
0x4: {  	s1 =	sor.u32 s0, s1  }
0x5: {  	s6 =	rddreg [dreg:$0x0];
	s4 =	simm.s32 $0x1;
	s2 =	sshll.u32 s1, $0x7  }
0x6: {  	s7 =	simm.s32 $0x2;
	s12 =	simm.s32 $0x0;
	s1 =	ssub.s32 $0x1000, s2  }
0x7: {  	s8 =	simm.s32 $0x8000;
	s13 =	simm.s32 $0x0;
	s3 =	sand.u32 $0xF80, s1  }
0x8: {  	s9 =	simm.s32 $0x0;
	s5 =	sshrl.u32 s1, $0xC;
	p0 =	sne.s32 s3, $0x0  }
.Ltmp0:
0x9: {  	s1 =	rddreg [dreg:$0x2];
	s4 =	simm.s32 @!p0 $0x0;
	(pc) =	sbr.rel .LBB1_1-.Ltmp0, $4  }
0xa: {  	s11 =	simm.s32 $0x0;
	s3 =	rddreg [dreg:$0x1];
	s5 =	sadd.s32 s4, s5  }
0xb: {  	_ =	strace $0x8000004A;
	s4 =	simm.s32 $0x1;
	s5 =	smul.u32 $0xC8, s5  }
0xc: {  	s6 =	sadd.s32 $0xA00, s6;
	s10 =	smov.u32 s2;
	[sflag:s4] =	ssyncpa.u1 $0x0  }
0xd: {  	p0 =	por $0x0, $0x0;
	[sflag:s7] =	ssyncpa.u1 $0x0;
	s7 =	sor.u32 $0x1, s5  }
.LBB1_4:
0xe: {  	s16 =	sshll.u32 s13, $0x3;
	s17 =	sand.u32 $0x78, s13  }
0xf: {  	s30 =	sand.u32 $0x1E00, s13;
	s12 =	sshll.u32 s12, $0xD;
	s16 =	sand.u32 $0xC00, s16  }
0x10: {  	s31 =	sand.u32 $0x7, s13;
	s16 =	sor.u32 s17, s16;
	s17 =	sadd.s32 s3, s30  }
0x11: {  	s13 =	sshll.u32 s31, $0x12;
	s16 =	sshrl.u32 s16, $0x3;
	s12 =	sadd.s32 s12, s17  }
0x12: {  	[tilespmem:s15+$0x0 ss:$0x81] =	vst.msk $0xffff, v1;
	s13 =	sor.u32 $0x400, s13;
	s12 =	sadd.s32 s16, s12  }
0x13: {  	[hbm4b:s12+s13] =	stream.strided.scatter [tilespmem:s14], [sflag:$0x2], $0x800, s8, s13, $0x20;
	[tilespmem:$0x2020] =	vst v63  }
.LBB1_5:
0x14: {  	s14 =	sadd.s32 $0x1, s9  }
0x15: {  	s12 =	sadd.s32 $0x1000, s10;
	s16 =	smov.u32 s10;
	p2 =	sgt.s32 s14, $0xC7  }
0x16: {  	s16 =	smov.u32 @p2 s12  }
0x17: {  	s14 =	simm.s32 @p2 $0x0;
	p2 =	sgt.s32 s16, $0xFFF  }
0x18: {  	s16 =	smov.u32 @p2 s2;
	p2 =	sne.s32 s11, s7  }
.Ltmp1:
0x19: {  	p1 =	slt.u32 s11, $0x2;
	(pc) =	sbr.rel @!p2 .LBB1_6-.Ltmp1, $4  }
0x1a: {  	s15 =	simm.s32 @!p1 $0x2  }
0x1b: {  	s13 =	smov.u32 s10;
	p0 =	por !p0, !p0;
	_ =	swait.ge @!p1 [sflag:s15], $0x800  }
0x1c: {  	s12 =	smov.u32 s9;
	[sflag:s15] =	ssyncset.done @!p1 $0x0;
	s9 =	smov.u32 s14  }
0x1d: {  	s11 =	sadd.s32 $0x1, s11;
	[sflag:s15] =	ssyncadd.s32 @!p1 $0xFFFFF800;
	s10 =	smov.u32 s16  }
.LBB1_1:
0x1e: {  	p1 =	sge.u32 s11, s5  }
0x1f: {  	s14 =	sand.u32 @!p1 $0x1FFFFFF, s9  }
0x20: {  	s15 =	smulhi.u32 @!p1 $0x147AE15, s14;
	_ =	sdelay $0x1  }
0x21: {  	s15 =	smul.u32 @!p1 $0xC8, s15  }
0x22: {  	s16 =	sxor.u32 @!p1 $0xFFFFFFFF, s11;
	s17 =	smul.u32 @!p1 $0xC80, s10  }
0x23: {  	s31 =	sadd.s32 $0xFFFFFFFF, s11;
	s16 =	sshll.u32 @!p1 s16, $0xB;
	s14 =	ssub.s32 @!p1 s14, s15  }
0x24: {  	s15 =	sand.u32 @!p1 $0x800, s16;
	s16 =	sadd.s32 @!p1 s6, s17;
	s14 =	sshll.u32 @!p1 s14, $0x4  }
0x25: {  	s17 =	simm.s32 @!p1 $0x6400;
	s14 =	sadd.s32 @!p1 s14, s16;
	s16 =	simm.s32 @!p1 $0x10  }
0x26: {  	[tilespmem:s15], [sflag:$0x1] =	stream.strided.gather @!p1 [hbm4b:s14+s16], $0x800, s17, s16, $0x38;
	[tilespmem:$0x2020] =	vst v63  }
0x27: {  	p1 =	sge.u32 s31, s5  }
.Ltmp2:
0x28: {  	_ = 	snop;
	(pc) =	sbr.rel @p1 .LBB1_5-.Ltmp2, $1  }
0x29: {  	_ =	sdelay $0x3  }
0x2a: {  	s14 =	simm.s32 $0x1  }
0x2b: {  	s14 =	simm.s32 @!p0 $0x0  }
0x2c: {  	s15 =	sshll.u32 s14, $0xB  }
0x2d: {  	v0 =	vmov s15;
	_ =	sdelay $0x1  }
0x2e: {  	_ =	swait.ge [sflag:s4], $0x800  }
0x2f: {  	s31 =	sand.u32 $0x1, s11;
	[sflag:s4] =	ssyncset.done $0x0  }
0x30: {  	s17 =	simm.s32 $0x0;
	s14 =	smul.u32 $0x2040, s14;
	[sflag:s4] =	ssyncadd.s32 $0xFFFFF800  }
0x31: {  	s15 =	smul.u32 $0x2040, s31;
	v1 =	vld.idx.msk [tilespmem:v0+s17+$0x0 ss:$0x1], $0xffff;
	_ =	sdelay $0x1  }
0x32: {  	s14 =	sshrl.u32 s14, $0x2;
	s16 =	sshrl.u32 s15, $0x2  }
0x33: {  	s15 =	sor.u32 $0x1000, s14;
	s14 =	sor.u32 $0x1000, s16;
	s16 =	simm.s32 $0x40  }
.LBB1_3:
0x34: {  	s17 =	sshra.s32 s16, $0x2;
	p1 =	sne.s32 s16, $0x1FC0;
	s16 =	sadd.s32 $0x40, s16  }
.Ltmp3:
0x35: {  	[tilespmem:s15+$0x0 ss:$0x81] =	vst.msk $0xffff, v1;
	v1 =	vld.idx.msk [tilespmem:v0+s17+$0x0 ss:$0x1], $0xffff;
	(pc) =	sbr.rel @p1 .LBB1_3-.Ltmp3, $2  }
0x36: {  	_ =	sdelay $0x2  }
0x37: {  	s15 =	sadd.s32 $0x1, s15  }
.Ltmp4:
0x38: {  	_ = 	snop;
	(pc) =	sbr.rel .LBB1_4-.Ltmp4, $1  }
0x39: {  	_ =	sdelay $0x3  }
.LBB1_6:
0x3a: {  	_ =	sfence.sel $0x180000  }
0x3b: {  	s2 =	simm.s32 $0x1;
	[bflag:$0x0] =	sbarrier.arrive $0xFFFF  }
0x3c: {  	s31 =	simm.s32 $0x2;
	[sflag:s2] =	ssyncpa.u1 $0x1  }
0x3d: {  	[sflag:s31] =	ssyncpa.u1 $0x1  }
0x3e: {  	p0 =	sne.s32 s0, $0x0;
	_ =	strace $0x9000004A  }
0x3f: {  	s0 =	sadd.s32 @!p0 $0x100000, s1;
	[bflag:$0x2] =	sbarrier.arrive $0xFFFF  }
0x40: {  	[sflag:s0] =	ssyncadd.tile.s32 @!p0 $0x1;
	_ =	shalt  }
.Lfunc_end1:
_tile_overlayer_lowered:
.L_overlay_start_2:
0x41: {  	(tag) =	ssettag $0x2  }
0x42: {  	s0 =	rddreg [dreg:$0x0];
	s2 =	stileid.u32  }
0x43: {  	s1 =	rddreg [dreg:$0x1];
	p0 =	sne.s32 s2, $0x0  }
0x44: {  	s3 =	rddreg [dreg:$0x2];
	[bflag:$0x3] =	sbarrier.arrive $0xFFFF;
	s2 =	simm.s32 @!p0 $0x1C01  }
0x45: {  	[timem:s3], [sflag:s2] =	dma.local @!p0 [hbm:s0], s1  }
0x46: {  	s0 =	simm.s32 @!p0 $0x1  }
0x47: {  	_ =	swait.ge @!p0 [sflag:s0], s1  }
0x48: {  	s1 =	ssub.s32 @!p0 $0x0, s1;
	[sflag:s0] =	ssyncset.done @!p0 $0x0  }
0x49: {  	[sflag:s0] =	ssyncadd.s32 @!p0 s1  }
0x4a: {  	[bflag:$0x3] =	sbarrier.arrive $0xFFFF  }
0x4b: {  	_ =	shalt  }

</sc_bundles>
